<compile_context>
chip_gen: v7x
topology: tpu7x:2x2x1
jax: 0.10.2.dev20260603
libtpu: 0.0.44.dev20260713+nightly
codegen_flags: <defaults>
</compile_context>

<pallas_src>
import functools

import jax
import jax.numpy as jnp
from jax import lax
from jax.experimental import pallas as pl
from jax.experimental.pallas import tpu as pltpu
from jax.experimental.pallas import tpu_sc as plsc

SCALE = 100.0
G = 64
ND = 16
S = 16
F = S * ND
NB = 1000
EB = 16000
NWK = 32


def _node_body(x_ref, nw_ref, b_ref, v_ref, slin_ref, rs_ref,
               nh_ref, acc_ref, st_ref):
    step = pl.program_id(0)
    xw = x_ref[...] * nw_ref[...]
    nh = jnp.dot(xw, v_ref[...], preferred_element_type=jnp.float32)
    nh_ref[...] = nh
    zh = jnp.dot(nh, rs_ref[...], preferred_element_type=jnp.float32)
    sig = 0.5 + 0.5 * jnp.tanh(slin_ref[...] - zh)
    sigb = sig.astype(jnp.bfloat16)
    b = b_ref[0]
    gio = lax.broadcasted_iota(jnp.int32, (G, NB), 0)
    onehot = jnp.where(b == gio, 1.0, 0.0).astype(jnp.bfloat16)

    @pl.when(step == 0)
    def _():
        acc_ref[...] = jnp.zeros_like(acc_ref)
        st_ref[...] = jnp.zeros_like(st_ref)

    acc_ref[...] += jnp.dot(onehot, sigb, preferred_element_type=jnp.float32)
    st_ref[...] += jnp.sum((b < gio).astype(jnp.int32), axis=1,
                           keepdims=True)


def _node_pass(x, nw2, bidx_lanes, v, slin, rs, *, interpret=False):
    n, dim = x.shape
    nsteps = n // NB
    return pl.pallas_call(
        _node_body,
        grid=(nsteps,),
        in_specs=[
            pl.BlockSpec((NB, dim), lambda i: (i, 0)),
            pl.BlockSpec((NB, 1), lambda i: (i, 0)),
            pl.BlockSpec((1, 1, NB), lambda i: (i, 0, 0)),
            pl.BlockSpec((dim, ND), lambda i: (0, 0)),
            pl.BlockSpec((1, F), lambda i: (0, 0)),
            pl.BlockSpec((ND, F), lambda i: (0, 0)),
        ],
        out_specs=[
            pl.BlockSpec((NB, ND), lambda i: (i, 0)),
            pl.BlockSpec((G, F), lambda i: (0, 0)),
            pl.BlockSpec((G, 1), lambda i: (0, 0)),
        ],
        out_shape=[
            jax.ShapeDtypeStruct((n, ND), jnp.float32),
            jax.ShapeDtypeStruct((G, F), jnp.float32),
            jax.ShapeDtypeStruct((G, 1), jnp.int32),
        ],
        compiler_params=pltpu.CompilerParams(
            dimension_semantics=("arbitrary",)),
        interpret=interpret,
    )(x, nw2, bidx_lanes, v, slin, rs)


def _sc_gather(nh, edge_index, chunk_base, e_chunk):
    bpw = e_chunk // NWK
    mesh = plsc.VectorSubcoreMesh(core_axis_name="c", subcore_axis_name="s")

    @functools.partial(
        pl.kernel,
        out_type=(jax.ShapeDtypeStruct((e_chunk, ND), jnp.float32),
                  jax.ShapeDtypeStruct((e_chunk, ND), jnp.float32)),
        mesh=mesh,
        scratch_types=[
            pltpu.VMEM((bpw,), jnp.int32),
            pltpu.VMEM((bpw, ND), jnp.float32),
            pltpu.SemaphoreType.DMA,
        ],
        compiler_params=pltpu.CompilerParams(use_tc_tiling_on_sc=False),
    )
    def k(nh_hbm, ei_hbm, uout, vout, idx_v, rows_v, sem):
        wid = lax.axis_index("s") * 2 + lax.axis_index("c")
        base = wid * bpw
        pltpu.sync_copy(ei_hbm.at[0, pl.ds(chunk_base + base, bpw)], idx_v)
        pltpu.async_copy(nh_hbm.at[idx_v], rows_v, sem).wait()
        pltpu.sync_copy(rows_v, uout.at[pl.ds(base, bpw)])
        pltpu.sync_copy(ei_hbm.at[1, pl.ds(chunk_base + base, bpw)], idx_v)
        pltpu.async_copy(nh_hbm.at[idx_v], rows_v, sem).wait()
        pltpu.sync_copy(rows_v, vout.at[pl.ds(base, bpw)])

    return k(nh, edge_index)


def _edge_chunk(acc_in_ref, u_ref, v_ref, ew_ref, ul_ref, st_ref,
                slin_ref, rs_ref, acc_scr):
    step = pl.program_id(0)

    @pl.when(step == 0)
    def _():
        acc_scr[...] = acc_in_ref[...]

    m = jnp.maximum(u_ref[...], v_ref[...])
    ew8 = ew_ref[0]
    u8 = ul_ref[0]
    st = st_ref[...]
    acc = jnp.zeros((G, F), jnp.float32)
    for k in range(8):
        mk = m[:, ND * k:ND * (k + 1)]
        zh = jnp.dot(mk, rs_ref[...],
                     preferred_element_type=jnp.float32) * ew8[:, k:k + 1]
        sig = 0.5 + 0.5 * jnp.tanh(slin_ref[...] - zh)
        sigb = sig.astype(jnp.bfloat16)
        uk = u8[k:k + 1, :]
        ge = jnp.where(uk >= st, 1.0, 0.0).astype(jnp.bfloat16)
        acc = acc + jnp.dot(ge, sigb, preferred_element_type=jnp.float32)
    accd = acc - jnp.concatenate(
        [acc[1:, :], jnp.zeros((1, F), jnp.float32)], axis=0)
    acc_scr[...] -= accd


def _edge_body_mid(u_ref, v_ref, ew_ref, ul_ref, st_ref, accp_ref,
                   slin_ref, rs_ref, accout_ref, acc_scr):
    _edge_chunk(accp_ref, u_ref, v_ref, ew_ref, ul_ref, st_ref,
                slin_ref, rs_ref, acc_scr)

    @pl.when(pl.program_id(0) == pl.num_programs(0) - 1)
    def _():
        accout_ref[...] = acc_scr[...]


def _edge_body_fin(u_ref, v_ref, ew_ref, ul_ref, st_ref, accp_ref,
                   slin_ref, rs_ref, f1w_ref, f1b_ref, f2w_ref, f2b_ref,
                   logits_ref, flat_ref, acc_scr):
    _edge_chunk(accp_ref, u_ref, v_ref, ew_ref, ul_ref, st_ref,
                slin_ref, rs_ref, acc_scr)

    @pl.when(pl.program_id(0) == pl.num_programs(0) - 1)
    def _():
        flat = acc_scr[...]
        flat_ref[...] = flat
        h = jnp.maximum(
            lax.dot_general(flat, f1w_ref[...], (((1,), (1,)), ((), ())),
                            preferred_element_type=jnp.float32)
            + f1b_ref[...], 0.0)
        logits_ref[...] = (
            lax.dot_general(h, f2w_ref[...], (((1,), (1,)), ((), ())),
                            preferred_element_type=jnp.float32)
            + f2b_ref[...])


def _edge_pass(u_pack, v_pack, ew2, u_lanes, starts, acc_in,
               slin, rs, f1w=None, f1b2=None, f2w=None, f2b2=None,
               *, final, interpret=False):
    e = u_pack.shape[0] * 128 // ND
    nsteps = e // EB
    base_specs = [
        pl.BlockSpec((EB * ND // 128, 128), lambda i: (i, 0)),
        pl.BlockSpec((EB * ND // 128, 128), lambda i: (i, 0)),
        pl.BlockSpec((1, EB // 8, 8), lambda i: (i, 0, 0)),
        pl.BlockSpec((1, 8, EB // 8), lambda i: (i, 0, 0)),
        pl.BlockSpec((G, 1), lambda i: (0, 0)),
        pl.BlockSpec((G, F), lambda i: (0, 0)),
        pl.BlockSpec((1, F), lambda i: (0, 0)),
        pl.BlockSpec((ND, F), lambda i: (0, 0)),
    ]
    base_args = (u_pack, v_pack, ew2, u_lanes, starts, acc_in, slin, rs)
    if not final:
        return pl.pallas_call(
            _edge_body_mid,
            grid=(nsteps,),
            in_specs=base_specs,
            out_specs=[pl.BlockSpec((G, F), lambda i: (0, 0))],
            out_shape=[jax.ShapeDtypeStruct((G, F), jnp.float32)],
            scratch_shapes=[pltpu.VMEM((G, F), jnp.float32)],
            compiler_params=pltpu.CompilerParams(
                dimension_semantics=("arbitrary",)),
            interpret=interpret,
        )(*base_args)[0]
    hid = f1w.shape[0]
    ncls = f2w.shape[0]
    return pl.pallas_call(
        _edge_body_fin,
        grid=(nsteps,),
        in_specs=base_specs + [
            pl.BlockSpec((hid, F), lambda i: (0, 0)),
            pl.BlockSpec((1, hid), lambda i: (0, 0)),
            pl.BlockSpec((ncls, hid), lambda i: (0, 0)),
            pl.BlockSpec((1, ncls), lambda i: (0, 0)),
        ],
        out_specs=[
            pl.BlockSpec((G, ncls), lambda i: (0, 0)),
            pl.BlockSpec((G, F), lambda i: (0, 0)),
        ],
        out_shape=[
            jax.ShapeDtypeStruct((G, ncls), jnp.float32),
            jax.ShapeDtypeStruct((G, F), jnp.float32),
        ],
        scratch_shapes=[pltpu.VMEM((G, F), jnp.float32)],
        compiler_params=pltpu.CompilerParams(
            dimension_semantics=("arbitrary",)),
        interpret=interpret,
    )(*base_args, f1w, f1b2, f2w, f2b2)


def kernel(x, node_weights, edge_index, edge_weights, batch_idx, v, lin,
           fc1_w, fc1_b, fc2_w, fc2_b):
    n = x.shape[0]
    e = edge_index.shape[1]
    rs = (0.5 * SCALE) * jnp.tile(jnp.eye(ND, dtype=jnp.float32), (1, S))
    slin = ((0.5 * SCALE) * jnp.repeat(lin, ND))[None, :]
    nw2 = node_weights[:, None]
    bidx_lanes = batch_idx.reshape(n // NB, 1, NB)
    ew2 = edge_weights.reshape(e // EB, EB // 8, 8)
    u_lanes = edge_index[0].reshape(e // EB, EB // 8, 8).transpose(0, 2, 1)

    nh, acc_pts, starts = _node_pass(x, nw2, bidx_lanes, v, slin, rs)
    u_rows, v_rows = _sc_gather(nh, edge_index, 0, e)
    logits, flat = _edge_pass(
        u_rows.reshape(e * ND // 128, 128), v_rows.reshape(e * ND // 128, 128),
        ew2, u_lanes, starts, acc_pts, slin, rs,
        fc1_w, fc1_b[None, :], fc2_w, fc2_b[None, :], final=True)
    return (logits, flat)

# --- scband reference (transcript-rebuilt; emitter-appended) ---
"""Pipeline reference for scband-wdectclassifier-27401891348672 (READ-ONLY COPY).

The authoritative reference and input builder live on the scoring server;
editing this copy changes nothing except your own understanding.
"""

import jax, jax.numpy as jnp
import numpy as np

RADIUS = 1.0
BUMP_STEPS = 16
NUM_DIRS = 16
DIM = 128
HIDDEN = 256
NUM_CLASSES = 10
NUM_GRAPHS = 64
SCALE = 100.0
N_NODES = 10000
N_EDGES = 160000


def compute_ecc(nh, index, lin, num_graphs):
    # nh: [N, D], lin: [S] -> ecc: [N, S, D]; segment-sum over nodes -> [G, S, D]
    ecc = jax.nn.sigmoid(SCALE * (lin[None, :, None] - nh[:, None, :]))
    return jax.ops.segment_sum(ecc, index, num_segments=num_graphs)


def setup_inputs(seed: int = 0) -> dict:
    key = jax.random.key(seed)
    ks = jax.random.split(key, 10)
    x = jax.random.normal(ks[0], (N_NODES, DIM), dtype=jnp.float32)
    node_weights = jax.random.uniform(ks[1], (N_NODES,), dtype=jnp.float32)
    edge_index = jax.random.randint(ks[2], (2, N_EDGES), 0, N_NODES, dtype=jnp.int32)
    edge_weights = jax.random.uniform(ks[3], (N_EDGES,), dtype=jnp.float32)
    batch_idx = jnp.sort(jax.random.randint(ks[4], (N_NODES,), 0, NUM_GRAPHS, dtype=jnp.int32))
    v = jax.random.normal(ks[5], (DIM, NUM_DIRS), dtype=jnp.float32)
    v = v / jnp.linalg.norm(v, axis=0, keepdims=True)
    lin = jnp.linspace(-RADIUS, RADIUS, BUMP_STEPS, dtype=jnp.float32)
    in_dim = NUM_DIRS * BUMP_STEPS
    fc1_w = jax.random.normal(ks[6], (HIDDEN, in_dim), dtype=jnp.float32) * 0.02
    fc1_b = jnp.zeros((HIDDEN,), dtype=jnp.float32)
    fc2_w = jax.random.normal(ks[7], (NUM_CLASSES, HIDDEN), dtype=jnp.float32) * 0.02
    fc2_b = jnp.zeros((NUM_CLASSES,), dtype=jnp.float32)
    return {"x": x, "node_weights": node_weights, "edge_index": edge_index,
            "edge_weights": edge_weights, "batch_idx": batch_idx, "v": v, "lin": lin,
            "fc1_w": fc1_w, "fc1_b": fc1_b, "fc2_w": fc2_w, "fc2_b": fc2_b}


def reference(x, node_weights, edge_index, edge_weights, batch_idx, v, lin,
              fc1_w, fc1_b, fc2_w, fc2_b):
    # WDECTLayer forward
    nh = (x * node_weights[:, None]) @ v                      # [N, D]
    eh = jnp.max(nh[edge_index], axis=0)                      # gather + max over the 2 endpoints -> [E, D]
    eh = eh * edge_weights[:, None]
    idx_e = batch_idx[edge_index[0]]                          # [E]
    ecc_pts = compute_ecc(nh, batch_idx, lin, NUM_GRAPHS)     # [G, S, D]
    ecc_edges = compute_ecc(eh, idx_e, lin, NUM_GRAPHS)       # [G, S, D]
    ecc = ecc_pts - ecc_edges                                 # no faces in this batch
    # classifier head
    flat = ecc.reshape(NUM_GRAPHS, -1)                        # [G, S*D]
    h = jax.nn.relu(flat @ fc1_w.T + fc1_b)
    logits = h @ fc2_w.T + fc2_b
    return (logits, flat)

if __name__ == "__main__":
    import jax
    _d = setup_inputs()
    print(jax.jit(kernel)(*tuple(_d.values())))

</pallas_src>

<mosaic_0001>
#map = affine_map<(d0, d1) -> (0, 0)>
module attributes {stable_mosaic.version = 14 : i64} {
  func.func @k(%arg0: i32, %arg1: i32, %arg2: memref<10000x16xf32, #tpu.memory_space<hbm>>, %arg3: memref<2x160000xi32, #tpu.memory_space<hbm>>, %arg4: memref<160000x16xf32, #tpu.memory_space<hbm>>, %arg5: memref<160000x16xf32, #tpu.memory_space<hbm>>, %arg6: memref<5000xi32, #tpu.memory_space<vmem>>, %arg7: memref<5000x16xf32, #tpu.memory_space<vmem>>, %arg8: memref<!tpu.dma_semaphore, #tpu.memory_space<semaphore_mem>>) attributes {dimension_semantics = [#tpu.dimension_semantics<core_parallel>, #tpu.dimension_semantics<subcore_parallel>], iteration_bounds = array<i64: 2, 16>, scalar_prefetch = 0 : i64, scratch_operands = 3 : i64, tpu.core_type = #tpu.core_type<sc_vector_subcore>, window_params = [{transform_indices = #map}, {transform_indices = #map}, {transform_indices = #map}, {transform_indices = #map}]} {
    %mul3A = arith.constant 2 : i32
    %mul3A_0 = arith.muli %arg1, %mul3A : i32
    %add3A = arith.addi %mul3A_0, %arg0 : i32
    %mul3A_1 = arith.constant 5000 : i32
    %mul3A_2 = arith.muli %add3A, %mul3A_1 : i32
    %add3A_3 = arith.constant 0 : i32
    %add3A_4 = arith.addi %add3A_3, %mul3A_2 : i32
    %run_scoped3A = arith.constant 0 : i32
    "tpu.region"() ({
      %run_scoped3A_18 = tpu.sem_alloc : memref<!tpu.dma_semaphore, #tpu.memory_space<semaphore_mem>>
      %dma_start3A_19 = tpu.memref_slice %arg3[%run_scoped3A, %add3A_4] : memref<2x160000xi32, #tpu.memory_space<hbm>> -> memref<1x5000xi32, #tpu.memory_space<hbm>>
      %dma_start3A_20 = tpu.memref_squeeze %dma_start3A_19 : memref<1x5000xi32, #tpu.memory_space<hbm>> -> memref<5000xi32, #tpu.memory_space<hbm>>
      %dma_start3A_21 = tpu.memref_slice %arg3[%run_scoped3A, %add3A_4] : memref<2x160000xi32, #tpu.memory_space<hbm>> -> memref<1x5000xi32, #tpu.memory_space<hbm>>
      %dma_start3A_22 = tpu.memref_squeeze %dma_start3A_21 : memref<1x5000xi32, #tpu.memory_space<hbm>> -> memref<5000xi32, #tpu.memory_space<hbm>>
      tpu.enqueue_dma source(%dma_start3A_22 : memref<5000xi32, #tpu.memory_space<hbm>>) target(%arg6 : memref<5000xi32, #tpu.memory_space<vmem>>) target_semaphore(%run_scoped3A_18 : memref<!tpu.dma_semaphore, #tpu.memory_space<semaphore_mem>>)
      %dma_wait3A_23 = tpu.memref_slice %arg3[%run_scoped3A, %add3A_4] : memref<2x160000xi32, #tpu.memory_space<hbm>> -> memref<1x5000xi32, #tpu.memory_space<hbm>>
      %dma_wait3A_24 = tpu.memref_squeeze %dma_wait3A_23 : memref<1x5000xi32, #tpu.memory_space<hbm>> -> memref<5000xi32, #tpu.memory_space<hbm>>
      %dma_wait3A_25 = tpu.memref_slice %arg3[%run_scoped3A, %add3A_4] : memref<2x160000xi32, #tpu.memory_space<hbm>> -> memref<1x5000xi32, #tpu.memory_space<hbm>>
      %dma_wait3A_26 = tpu.memref_squeeze %dma_wait3A_25 : memref<1x5000xi32, #tpu.memory_space<hbm>> -> memref<5000xi32, #tpu.memory_space<hbm>>
      tpu.wait_dma2 semaphore(%run_scoped3A_18 : memref<!tpu.dma_semaphore, #tpu.memory_space<semaphore_mem>>) src(%dma_wait3A_26 : memref<5000xi32, #tpu.memory_space<hbm>>) dst(%arg6 : memref<5000xi32, #tpu.memory_space<vmem>>)
      tpu.yield
    }) : () -> ()
    %dma_start3A = arith.constant 0 : i32
    %dma_start3A_5 = arith.constant 0 : i32
    %dma_start3A_6 = tpu.memref_slice %arg2[%dma_start3A, %dma_start3A_5] : memref<10000x16xf32, #tpu.memory_space<hbm>> -> memref<10000x16xf32, #tpu.memory_space<hbm>>
    tpu.enqueue_indirect_dma source(%dma_start3A_6 : memref<10000x16xf32, #tpu.memory_space<hbm>>) target(%arg7 : memref<5000x16xf32, #tpu.memory_space<vmem>>) offsets(%arg6 : memref<5000xi32, #tpu.memory_space<vmem>>) semaphore(%arg8 : memref<!tpu.dma_semaphore, #tpu.memory_space<semaphore_mem>>)
    %dma_wait3A = arith.constant 0 : i32
    %dma_wait3A_7 = arith.constant 0 : i32
    %dma_wait3A_8 = tpu.memref_slice %arg2[%dma_wait3A, %dma_wait3A_7] : memref<10000x16xf32, #tpu.memory_space<hbm>> -> memref<10000x16xf32, #tpu.memory_space<hbm>>
    tpu.wait_indirect_dma semaphore(%arg8 : memref<!tpu.dma_semaphore, #tpu.memory_space<semaphore_mem>>) src(%dma_wait3A_8 : memref<10000x16xf32, #tpu.memory_space<hbm>>) dst(%arg7 : memref<5000x16xf32, #tpu.memory_space<vmem>>)
    "tpu.region"() ({
      %run_scoped3A_18 = tpu.sem_alloc : memref<!tpu.dma_semaphore, #tpu.memory_space<semaphore_mem>>
      %dma_start3A_19 = arith.constant 0 : i32
      %dma_start3A_20 = tpu.memref_slice %arg4[%mul3A_2, %dma_start3A_19] : memref<160000x16xf32, #tpu.memory_space<hbm>> -> memref<5000x16xf32, #tpu.memory_space<hbm>>
      %dma_start3A_21 = arith.constant 0 : i32
      %dma_start3A_22 = tpu.memref_slice %arg4[%mul3A_2, %dma_start3A_21] : memref<160000x16xf32, #tpu.memory_space<hbm>> -> memref<5000x16xf32, #tpu.memory_space<hbm>>
      tpu.enqueue_dma source(%arg7 : memref<5000x16xf32, #tpu.memory_space<vmem>>) target(%dma_start3A_22 : memref<5000x16xf32, #tpu.memory_space<hbm>>) target_semaphore(%run_scoped3A_18 : memref<!tpu.dma_semaphore, #tpu.memory_space<semaphore_mem>>)
      %dma_wait3A_23 = arith.constant 0 : i32
      %dma_wait3A_24 = tpu.memref_slice %arg4[%mul3A_2, %dma_wait3A_23] : memref<160000x16xf32, #tpu.memory_space<hbm>> -> memref<5000x16xf32, #tpu.memory_space<hbm>>
      %dma_wait3A_25 = arith.constant 0 : i32
      %dma_wait3A_26 = tpu.memref_slice %arg4[%mul3A_2, %dma_wait3A_25] : memref<160000x16xf32, #tpu.memory_space<hbm>> -> memref<5000x16xf32, #tpu.memory_space<hbm>>
      tpu.wait_dma2 semaphore(%run_scoped3A_18 : memref<!tpu.dma_semaphore, #tpu.memory_space<semaphore_mem>>) src(%arg7 : memref<5000x16xf32, #tpu.memory_space<vmem>>) dst(%dma_wait3A_26 : memref<5000x16xf32, #tpu.memory_space<hbm>>)
      tpu.yield
    }) : () -> ()
    %add3A_9 = arith.constant 0 : i32
    %add3A_10 = arith.addi %add3A_9, %mul3A_2 : i32
    %run_scoped3A_11 = arith.constant 1 : i32
    "tpu.region"() ({
      %run_scoped3A_18 = tpu.sem_alloc : memref<!tpu.dma_semaphore, #tpu.memory_space<semaphore_mem>>
      %dma_start3A_19 = tpu.memref_slice %arg3[%run_scoped3A_11, %add3A_10] : memref<2x160000xi32, #tpu.memory_space<hbm>> -> memref<1x5000xi32, #tpu.memory_space<hbm>>
      %dma_start3A_20 = tpu.memref_squeeze %dma_start3A_19 : memref<1x5000xi32, #tpu.memory_space<hbm>> -> memref<5000xi32, #tpu.memory_space<hbm>>
      %dma_start3A_21 = tpu.memref_slice %arg3[%run_scoped3A_11, %add3A_10] : memref<2x160000xi32, #tpu.memory_space<hbm>> -> memref<1x5000xi32, #tpu.memory_space<hbm>>
      %dma_start3A_22 = tpu.memref_squeeze %dma_start3A_21 : memref<1x5000xi32, #tpu.memory_space<hbm>> -> memref<5000xi32, #tpu.memory_space<hbm>>
      tpu.enqueue_dma source(%dma_start3A_22 : memref<5000xi32, #tpu.memory_space<hbm>>) target(%arg6 : memref<5000xi32, #tpu.memory_space<vmem>>) target_semaphore(%run_scoped3A_18 : memref<!tpu.dma_semaphore, #tpu.memory_space<semaphore_mem>>)
      %dma_wait3A_23 = tpu.memref_slice %arg3[%run_scoped3A_11, %add3A_10] : memref<2x160000xi32, #tpu.memory_space<hbm>> -> memref<1x5000xi32, #tpu.memory_space<hbm>>
      %dma_wait3A_24 = tpu.memref_squeeze %dma_wait3A_23 : memref<1x5000xi32, #tpu.memory_space<hbm>> -> memref<5000xi32, #tpu.memory_space<hbm>>
      %dma_wait3A_25 = tpu.memref_slice %arg3[%run_scoped3A_11, %add3A_10] : memref<2x160000xi32, #tpu.memory_space<hbm>> -> memref<1x5000xi32, #tpu.memory_space<hbm>>
      %dma_wait3A_26 = tpu.memref_squeeze %dma_wait3A_25 : memref<1x5000xi32, #tpu.memory_space<hbm>> -> memref<5000xi32, #tpu.memory_space<hbm>>
      tpu.wait_dma2 semaphore(%run_scoped3A_18 : memref<!tpu.dma_semaphore, #tpu.memory_space<semaphore_mem>>) src(%dma_wait3A_26 : memref<5000xi32, #tpu.memory_space<hbm>>) dst(%arg6 : memref<5000xi32, #tpu.memory_space<vmem>>)
      tpu.yield
    }) : () -> ()
    %dma_start3A_12 = arith.constant 0 : i32
    %dma_start3A_13 = arith.constant 0 : i32
    %dma_start3A_14 = tpu.memref_slice %arg2[%dma_start3A_12, %dma_start3A_13] : memref<10000x16xf32, #tpu.memory_space<hbm>> -> memref<10000x16xf32, #tpu.memory_space<hbm>>
    tpu.enqueue_indirect_dma source(%dma_start3A_14 : memref<10000x16xf32, #tpu.memory_space<hbm>>) target(%arg7 : memref<5000x16xf32, #tpu.memory_space<vmem>>) offsets(%arg6 : memref<5000xi32, #tpu.memory_space<vmem>>) semaphore(%arg8 : memref<!tpu.dma_semaphore, #tpu.memory_space<semaphore_mem>>)
    %dma_wait3A_15 = arith.constant 0 : i32
    %dma_wait3A_16 = arith.constant 0 : i32
    %dma_wait3A_17 = tpu.memref_slice %arg2[%dma_wait3A_15, %dma_wait3A_16] : memref<10000x16xf32, #tpu.memory_space<hbm>> -> memref<10000x16xf32, #tpu.memory_space<hbm>>
    tpu.wait_indirect_dma semaphore(%arg8 : memref<!tpu.dma_semaphore, #tpu.memory_space<semaphore_mem>>) src(%dma_wait3A_17 : memref<10000x16xf32, #tpu.memory_space<hbm>>) dst(%arg7 : memref<5000x16xf32, #tpu.memory_space<vmem>>)
    "tpu.region"() ({
      %run_scoped3A_18 = tpu.sem_alloc : memref<!tpu.dma_semaphore, #tpu.memory_space<semaphore_mem>>
      %dma_start3A_19 = arith.constant 0 : i32
      %dma_start3A_20 = tpu.memref_slice %arg5[%mul3A_2, %dma_start3A_19] : memref<160000x16xf32, #tpu.memory_space<hbm>> -> memref<5000x16xf32, #tpu.memory_space<hbm>>
      %dma_start3A_21 = arith.constant 0 : i32
      %dma_start3A_22 = tpu.memref_slice %arg5[%mul3A_2, %dma_start3A_21] : memref<160000x16xf32, #tpu.memory_space<hbm>> -> memref<5000x16xf32, #tpu.memory_space<hbm>>
      tpu.enqueue_dma source(%arg7 : memref<5000x16xf32, #tpu.memory_space<vmem>>) target(%dma_start3A_22 : memref<5000x16xf32, #tpu.memory_space<hbm>>) target_semaphore(%run_scoped3A_18 : memref<!tpu.dma_semaphore, #tpu.memory_space<semaphore_mem>>)
      %dma_wait3A_23 = arith.constant 0 : i32
      %dma_wait3A_24 = tpu.memref_slice %arg5[%mul3A_2, %dma_wait3A_23] : memref<160000x16xf32, #tpu.memory_space<hbm>> -> memref<5000x16xf32, #tpu.memory_space<hbm>>
      %dma_wait3A_25 = arith.constant 0 : i32
      %dma_wait3A_26 = tpu.memref_slice %arg5[%mul3A_2, %dma_wait3A_25] : memref<160000x16xf32, #tpu.memory_space<hbm>> -> memref<5000x16xf32, #tpu.memory_space<hbm>>
      tpu.wait_dma2 semaphore(%run_scoped3A_18 : memref<!tpu.dma_semaphore, #tpu.memory_space<semaphore_mem>>) src(%arg7 : memref<5000x16xf32, #tpu.memory_space<vmem>>) dst(%dma_wait3A_26 : memref<5000x16xf32, #tpu.memory_space<hbm>>)
      tpu.yield
    }) : () -> ()
    return
  }
}

module attributes {stable_mosaic.version = 14 : i64} {
  func.func @_node_body(%arg0: i32, %arg1: memref<1000x128xf32, #tpu.memory_space<vmem>>, %arg2: memref<1000x1xf32, #tpu.memory_space<vmem>>, %arg3: memref<1x1x1000xi32, #tpu.memory_space<vmem>>, %arg4: memref<128x16xf32, #tpu.memory_space<vmem>>, %arg5: memref<1x256xf32, #tpu.memory_space<vmem>>, %arg6: memref<16x256xf32, #tpu.memory_space<vmem>>, %arg7: memref<1000x16xf32, #tpu.memory_space<vmem>>, %arg8: memref<64x256xf32, #tpu.memory_space<vmem>>, %arg9: memref<64x1xi32, #tpu.memory_space<vmem>>) attributes {dimension_semantics = [#tpu.dimension_semantics<arbitrary>], iteration_bounds = array<i64: 10>, scalar_prefetch = 0 : i64, scratch_operands = 0 : i64, tpu.core_type = #tpu.core_type<tc>, window_params = [{transform_indices = @transform_0, window_bounds = array<i64: 1000, 128>}, {transform_indices = @transform_1, window_bounds = array<i64: 1000, 1>}, {transform_indices = @transform_2, window_bounds = array<i64: 1, 1, 1000>}, {pipeline_mode = #tpu.pipeline_mode<synchronous>, transform_indices = @transform_3, window_bounds = array<i64: 128, 16>}, {pipeline_mode = #tpu.pipeline_mode<synchronous>, transform_indices = @transform_4, window_bounds = array<i64: 1, 256>}, {pipeline_mode = #tpu.pipeline_mode<synchronous>, transform_indices = @transform_5, window_bounds = array<i64: 16, 256>}, {transform_indices = @transform_6, window_bounds = array<i64: 1000, 16>}, {pipeline_mode = #tpu.pipeline_mode<synchronous>, transform_indices = @transform_7, window_bounds = array<i64: 64, 256>}, {pipeline_mode = #tpu.pipeline_mode<synchronous>, transform_indices = @transform_8, window_bounds = array<i64: 64, 1>}]} {
    %get3A = arith.constant 0 : index
    %get3A_0 = arith.constant 0 : index
    %get3A_1 = vector.load %arg1[%get3A, %get3A_0] : memref<1000x128xf32, #tpu.memory_space<vmem>>, vector<1000x128xf32>
    %get3A_2 = arith.constant 0 : index
    %get3A_3 = arith.constant 0 : index
    %get3A_4 = vector.load %arg2[%get3A_2, %get3A_3] : memref<1000x1xf32, #tpu.memory_space<vmem>>, vector<1000x1xf32>
    %mul3A = vector.broadcast %get3A_4 : vector<1000x1xf32> to vector<1000x128xf32>
    %mul3A_5 = arith.mulf %get3A_1, %mul3A : vector<1000x128xf32>
    %get3A_6 = arith.constant 0 : index
    %get3A_7 = arith.constant 0 : index
    %get3A_8 = vector.load %arg4[%get3A_6, %get3A_7] : memref<128x16xf32, #tpu.memory_space<vmem>>, vector<128x16xf32>
    %dot_general3A = arith.constant dense<0.000000e+00> : vector<1000x16xf32>
    %dot_general3A_9 = tpu.matmul %mul3A_5, %get3A_8, %dot_general3A {dimension_numbers = #tpu.dot_dimension_numbers<[1], [0], [0], [1], [0, 0, 1, 1], [], []>, transpose_lhs_hint = false} : vector<1000x128xf32>, vector<128x16xf32>, vector<1000x16xf32> -> vector<1000x16xf32>
    %swap3A = arith.constant 0 : index
    %swap3A_10 = arith.constant 0 : index
    %swap3A_11 = vector.load %arg7[%swap3A, %swap3A_10] : memref<1000x16xf32, #tpu.memory_space<vmem>>, vector<1000x16xf32>
    tpu.vector_store %arg7[%swap3A, %swap3A_10], %dot_general3A_9 {strides = array<i32>} : memref<1000x16xf32, #tpu.memory_space<vmem>>, vector<1000x16xf32>,
    %get3A_12 = arith.constant 0 : index
    %get3A_13 = arith.constant 0 : index
    %get3A_14 = vector.load %arg6[%get3A_12, %get3A_13] : memref<16x256xf32, #tpu.memory_space<vmem>>, vector<16x256xf32>
    %dot_general3A_15 = arith.constant dense<0.000000e+00> : vector<1000x256xf32>
    %dot_general3A_16 = tpu.matmul %dot_general3A_9, %get3A_14, %dot_general3A_15 {dimension_numbers = #tpu.dot_dimension_numbers<[1], [0], [0], [1], [0, 0, 1, 1], [], []>, transpose_lhs_hint = false} : vector<1000x16xf32>, vector<16x256xf32>, vector<1000x256xf32> -> vector<1000x256xf32>
    %get3A_17 = arith.constant 0 : index
    %get3A_18 = arith.constant 0 : index
    %get3A_19 = vector.load %arg5[%get3A_17, %get3A_18] : memref<1x256xf32, #tpu.memory_space<vmem>>, vector<1x256xf32>
    %sub3A = vector.broadcast %get3A_19 : vector<1x256xf32> to vector<1000x256xf32>
    %sub3A_20 = arith.subf %sub3A, %dot_general3A_16 : vector<1000x256xf32>
    %tanh3A = math.tanh %sub3A_20 : vector<1000x256xf32>
    %mul3A_21 = arith.constant 5.000000e-01 : f32
    %mul3A_22 = vector.broadcast %mul3A_21 : f32 to vector<1000x256xf32>
    %mul3A_23 = arith.mulf %mul3A_22, %tanh3A : vector<1000x256xf32>
    %add3A = arith.constant 5.000000e-01 : f32
    %add3A_24 = vector.broadcast %add3A : f32 to vector<1000x256xf32>
    %add3A_25 = arith.addf %add3A_24, %mul3A_23 : vector<1000x256xf32>
    %convert_element_type3A = arith.truncf %add3A_25 : vector<1000x256xf32> to vector<1000x256xbf16>
    %get3A_26 = arith.constant 0 : index
    %get3A_27 = arith.constant 0 : index
    %get3A_28 = arith.constant 0 : index
    %get3A_29 = vector.load %arg3[%get3A_26, %get3A_27, %get3A_28] : memref<1x1x1000xi32, #tpu.memory_space<vmem>>, vector<1x1x1000xi32>
    %get3A_30 = vector.shape_cast %get3A_29 : vector<1x1x1000xi32> to vector<1x1000xi32>
    %iota3A = tpu.iota {dimensions = array<i32: 0>} : vector<64x1000xi32>
    %eq3A = vector.broadcast %get3A_30 : vector<1x1000xi32> to vector<64x1000xi32>
    %eq3A_31 = arith.cmpi eq, %eq3A, %iota3A : vector<64x1000xi32>
    %jit3A = arith.constant 1.000000e+00 : f32
    %jit3A_32 = arith.constant 0.000000e+00 : f32
    %broadcast_in_dim3A = vector.broadcast %jit3A : f32 to vector<64x1000xf32>
    %broadcast_in_dim3A_33 = vector.broadcast %jit3A_32 : f32 to vector<64x1000xf32>
    %select_n3A = arith.select %eq3A_31, %broadcast_in_dim3A, %broadcast_in_dim3A_33 : vector<64x1000xi1>, vector<64x1000xf32>
    %convert_element_type3A_34 = arith.truncf %select_n3A : vector<64x1000xf32> to vector<64x1000xbf16>
    %eq3A_35 = arith.constant 0 : i32
    %eq3A_36 = arith.cmpi eq, %arg0, %eq3A_35 : i32
    %convert_element_type3A_37 = arith.extui %eq3A_36 : i1 to i32
    %cond3A = arith.constant 0 : i32
    %cond3A_38 = arith.cmpi ne, %convert_element_type3A_37, %cond3A : i32
    scf.if %cond3A_38 {
      %broadcast_in_dim3A_59 = arith.constant 0.000000e+00 : f32
      %broadcast_in_dim3A_60 = vector.broadcast %broadcast_in_dim3A_59 : f32 to vector<64x256xf32>
      %swap3A_61 = arith.constant 0 : index
      %swap3A_62 = arith.constant 0 : index
      %swap3A_63 = vector.load %arg8[%swap3A_61, %swap3A_62] : memref<64x256xf32, #tpu.memory_space<vmem>>, vector<64x256xf32>
      tpu.vector_store %arg8[%swap3A_61, %swap3A_62], %broadcast_in_dim3A_60 {strides = array<i32>} : memref<64x256xf32, #tpu.memory_space<vmem>>, vector<64x256xf32>,
      %broadcast_in_dim3A_64 = arith.constant 0 : i32
      %broadcast_in_dim3A_65 = vector.broadcast %broadcast_in_dim3A_64 : i32 to vector<64x1xi32>
      %swap3A_66 = arith.constant 0 : index
      %swap3A_67 = arith.constant 0 : index
      %swap3A_68 = vector.load %arg9[%swap3A_66, %swap3A_67] : memref<64x1xi32, #tpu.memory_space<vmem>>, vector<64x1xi32>
      tpu.vector_store %arg9[%swap3A_66, %swap3A_67], %broadcast_in_dim3A_65 {strides = array<i32>} : memref<64x1xi32, #tpu.memory_space<vmem>>, vector<64x1xi32>,
    } else {
    }
    %get3A_39 = arith.constant 0 : index
    %get3A_40 = arith.constant 0 : index
    %get3A_41 = vector.load %arg8[%get3A_39, %get3A_40] : memref<64x256xf32, #tpu.memory_space<vmem>>, vector<64x256xf32>
    %dot_general3A_42 = arith.constant dense<0.000000e+00> : vector<64x256xf32>
    %dot_general3A_43 = tpu.matmul %convert_element_type3A_34, %convert_element_type3A, %dot_general3A_42 {dimension_numbers = #tpu.dot_dimension_numbers<[1], [0], [0], [1], [0, 0, 1, 1], [], []>, transpose_lhs_hint = false} : vector<64x1000xbf16>, vector<1000x256xbf16>, vector<64x256xf32> -> vector<64x256xf32>
    %add3A_44 = arith.addf %get3A_41, %dot_general3A_43 : vector<64x256xf32>
    %swap3A_45 = arith.constant 0 : index
    %swap3A_46 = arith.constant 0 : index
    %swap3A_47 = vector.load %arg8[%swap3A_45, %swap3A_46] : memref<64x256xf32, #tpu.memory_space<vmem>>, vector<64x256xf32>
    tpu.vector_store %arg8[%swap3A_45, %swap3A_46], %add3A_44 {strides = array<i32>} : memref<64x256xf32, #tpu.memory_space<vmem>>, vector<64x256xf32>,
    %get3A_48 = arith.constant 0 : index
    %get3A_49 = arith.constant 0 : index
    %get3A_50 = vector.load %arg9[%get3A_48, %get3A_49] : memref<64x1xi32, #tpu.memory_space<vmem>>, vector<64x1xi32>
    %lt3A = vector.broadcast %get3A_30 : vector<1x1000xi32> to vector<64x1000xi32>
    %lt3A_51 = arith.cmpi slt, %lt3A, %iota3A : vector<64x1000xi32>
    %convert_element_type3A_52 = arith.extui %lt3A_51 : vector<64x1000xi1> to vector<64x1000xi32>
    %reduce_sum3A = arith.constant dense<0> : vector<64xi32>
    %reduce_sum3A_53 = vector.multi_reduction <add>, %convert_element_type3A_52, %reduce_sum3A [1] : vector<64x1000xi32> to vector<64xi32>
    %broadcast_in_dim3A_54 = vector.shape_cast %reduce_sum3A_53 : vector<64xi32> to vector<64x1xi32>
    %add3A_55 = arith.addi %get3A_50, %broadcast_in_dim3A_54 : vector<64x1xi32>
    %swap3A_56 = arith.constant 0 : index
    %swap3A_57 = arith.constant 0 : index
    %swap3A_58 = vector.load %arg9[%swap3A_56, %swap3A_57] : memref<64x1xi32, #tpu.memory_space<vmem>>, vector<64x1xi32>
    tpu.vector_store %arg9[%swap3A_56, %swap3A_57], %add3A_55 {strides = array<i32>} : memref<64x1xi32, #tpu.memory_space<vmem>>, vector<64x1xi32>,
    return
  }
  func.func @transform_0(%arg0: i32) -> (i32, i32) {
    %c0_i32 = arith.constant 0 : i32
    %c0_i32_0 = arith.constant 0 : i32
    return %arg0, %c0_i32 : i32, i32
  }
  func.func @transform_1(%arg0: i32) -> (i32, i32) {
    %c0_i32 = arith.constant 0 : i32
    %c0_i32_0 = arith.constant 0 : i32
    return %arg0, %c0_i32 : i32, i32
  }
  func.func @transform_2(%arg0: i32) -> (i32, i32, i32) {
    %c0_i32 = arith.constant 0 : i32
    %c0_i32_0 = arith.constant 0 : i32
    %c0_i32_1 = arith.constant 0 : i32
    return %arg0, %c0_i32, %c0_i32_0 : i32, i32, i32
  }
  func.func @transform_3(%arg0: i32) -> (i32, i32) {
    %c0_i32 = arith.constant 0 : i32
    %c0_i32_0 = arith.constant 0 : i32
    %c0_i32_1 = arith.constant 0 : i32
    return %c0_i32, %c0_i32_0 : i32, i32
  }
  func.func @transform_4(%arg0: i32) -> (i32, i32) {
    %c0_i32 = arith.constant 0 : i32
    %c0_i32_0 = arith.constant 0 : i32
    %c0_i32_1 = arith.constant 0 : i32
    return %c0_i32, %c0_i32_0 : i32, i32
  }
  func.func @transform_5(%arg0: i32) -> (i32, i32) {
    %c0_i32 = arith.constant 0 : i32
    %c0_i32_0 = arith.constant 0 : i32
    %c0_i32_1 = arith.constant 0 : i32
    return %c0_i32, %c0_i32_0 : i32, i32
  }
  func.func @transform_6(%arg0: i32) -> (i32, i32) {
    %c0_i32 = arith.constant 0 : i32
    %c0_i32_0 = arith.constant 0 : i32
    return %arg0, %c0_i32 : i32, i32
  }
  func.func @transform_7(%arg0: i32) -> (i32, i32) {
    %c0_i32 = arith.constant 0 : i32
    %c0_i32_0 = arith.constant 0 : i32
    %c0_i32_1 = arith.constant 0 : i32
    return %c0_i32, %c0_i32_0 : i32, i32
  }
  func.func @transform_8(%arg0: i32) -> (i32, i32) {
    %c0_i32 = arith.constant 0 : i32
    %c0_i32_0 = arith.constant 0 : i32
    %c0_i32_1 = arith.constant 0 : i32
    return %c0_i32, %c0_i32_0 : i32, i32
  }
}

module attributes {stable_mosaic.version = 14 : i64} {
  func.func @_edge_body_fin(%arg0: i32, %arg1: memref<2000x128xf32, #tpu.memory_space<vmem>>, %arg2: memref<2000x128xf32, #tpu.memory_space<vmem>>, %arg3: memref<1x2000x8xf32, #tpu.memory_space<vmem>>, %arg4: memref<1x8x2000xi32, #tpu.memory_space<vmem>>, %arg5: memref<64x1xi32, #tpu.memory_space<vmem>>, %arg6: memref<64x256xf32, #tpu.memory_space<vmem>>, %arg7: memref<1x256xf32, #tpu.memory_space<vmem>>, %arg8: memref<16x256xf32, #tpu.memory_space<vmem>>, %arg9: memref<256x256xf32, #tpu.memory_space<vmem>>, %arg10: memref<1x256xf32, #tpu.memory_space<vmem>>, %arg11: memref<10x256xf32, #tpu.memory_space<vmem>>, %arg12: memref<1x10xf32, #tpu.memory_space<vmem>>, %arg13: memref<64x10xf32, #tpu.memory_space<vmem>>, %arg14: memref<64x256xf32, #tpu.memory_space<vmem>>, %arg15: memref<64x256xf32, #tpu.memory_space<vmem>>) attributes {dimension_semantics = [#tpu.dimension_semantics<arbitrary>], iteration_bounds = array<i64: 10>, scalar_prefetch = 0 : i64, scratch_operands = 1 : i64, tpu.core_type = #tpu.core_type<tc>, window_params = [{transform_indices = @transform_0, window_bounds = array<i64: 2000, 128>}, {transform_indices = @transform_1, window_bounds = array<i64: 2000, 128>}, {transform_indices = @transform_2, window_bounds = array<i64: 1, 2000, 8>}, {transform_indices = @transform_3, window_bounds = array<i64: 1, 8, 2000>}, {pipeline_mode = #tpu.pipeline_mode<synchronous>, transform_indices = @transform_4, window_bounds = array<i64: 64, 1>}, {pipeline_mode = #tpu.pipeline_mode<synchronous>, transform_indices = @transform_5, window_bounds = array<i64: 64, 256>}, {pipeline_mode = #tpu.pipeline_mode<synchronous>, transform_indices = @transform_6, window_bounds = array<i64: 1, 256>}, {pipeline_mode = #tpu.pipeline_mode<synchronous>, transform_indices = @transform_7, window_bounds = array<i64: 16, 256>}, {pipeline_mode = #tpu.pipeline_mode<synchronous>, transform_indices = @transform_8, window_bounds = array<i64: 256, 256>}, {pipeline_mode = #tpu.pipeline_mode<synchronous>, transform_indices = @transform_9, window_bounds = array<i64: 1, 256>}, {pipeline_mode = #tpu.pipeline_mode<synchronous>, transform_indices = @transform_10, window_bounds = array<i64: 10, 256>}, {pipeline_mode = #tpu.pipeline_mode<synchronous>, transform_indices = @transform_11, window_bounds = array<i64: 1, 10>}, {pipeline_mode = #tpu.pipeline_mode<synchronous>, transform_indices = @transform_12, window_bounds = array<i64: 64, 10>}, {pipeline_mode = #tpu.pipeline_mode<synchronous>, transform_indices = @transform_13, window_bounds = array<i64: 64, 256>}]} {
    %eq3A = arith.constant 0 : i32
    %eq3A_0 = arith.cmpi eq, %arg0, %eq3A : i32
    %convert_element_type3A = arith.extui %eq3A_0 : i1 to i32
    %cond3A = arith.constant 0 : i32
    %cond3A_1 = arith.cmpi ne, %convert_element_type3A, %cond3A : i32
    scf.if %cond3A_1 {
      %get3A_307 = arith.constant 0 : index
      %get3A_308 = arith.constant 0 : index
      %get3A_309 = vector.load %arg6[%get3A_307, %get3A_308] : memref<64x256xf32, #tpu.memory_space<vmem>>, vector<64x256xf32>
      %swap3A_310 = arith.constant 0 : index
      %swap3A_311 = arith.constant 0 : index
      %swap3A_312 = vector.load %arg15[%swap3A_310, %swap3A_311] : memref<64x256xf32, #tpu.memory_space<vmem>>, vector<64x256xf32>
      tpu.vector_store %arg15[%swap3A_310, %swap3A_311], %get3A_309 {strides = array<i32>} : memref<64x256xf32, #tpu.memory_space<vmem>>, vector<64x256xf32>,
    } else {
    }
    %get3A = arith.constant 0 : index
    %get3A_2 = arith.constant 0 : index
    %get3A_3 = vector.load %arg1[%get3A, %get3A_2] : memref<2000x128xf32, #tpu.memory_space<vmem>>, vector<2000x128xf32>
    %get3A_4 = arith.constant 0 : index
    %get3A_5 = arith.constant 0 : index
    %get3A_6 = vector.load %arg2[%get3A_4, %get3A_5] : memref<2000x128xf32, #tpu.memory_space<vmem>>, vector<2000x128xf32>
    %max3A = arith.maximumf %get3A_3, %get3A_6 : vector<2000x128xf32>
    %get3A_7 = arith.constant 0 : index
    %get3A_8 = arith.constant 0 : index
    %get3A_9 = arith.constant 0 : index
    %get3A_10 = vector.load %arg3[%get3A_7, %get3A_8, %get3A_9] : memref<1x2000x8xf32, #tpu.memory_space<vmem>>, vector<1x2000x8xf32>
    %get3A_11 = vector.shape_cast %get3A_10 : vector<1x2000x8xf32> to vector<2000x8xf32>
    %get3A_12 = arith.constant 0 : index
    %get3A_13 = arith.constant 0 : index
    %get3A_14 = arith.constant 0 : index
    %get3A_15 = vector.load %arg4[%get3A_12, %get3A_13, %get3A_14] : memref<1x8x2000xi32, #tpu.memory_space<vmem>>, vector<1x8x2000xi32>
    %get3A_16 = vector.shape_cast %get3A_15 : vector<1x8x2000xi32> to vector<8x2000xi32>
    %get3A_17 = arith.constant 0 : index
    %get3A_18 = arith.constant 0 : index
    %get3A_19 = vector.load %arg5[%get3A_17, %get3A_18] : memref<64x1xi32, #tpu.memory_space<vmem>>, vector<64x1xi32>
    %broadcast_in_dim3A = arith.constant 0.000000e+00 : f32
    %broadcast_in_dim3A_20 = vector.broadcast %broadcast_in_dim3A : f32 to vector<64x256xf32>
    %slice3A = vector.extract_strided_slice %max3A {offsets = [0, 0], sizes = [2000, 16], strides = [1, 1]} : vector<2000x128xf32> to vector<2000x16xf32>
    %get3A_21 = arith.constant 0 : index
    %get3A_22 = arith.constant 0 : index
    %get3A_23 = vector.load %arg8[%get3A_21, %get3A_22] : memref<16x256xf32, #tpu.memory_space<vmem>>, vector<16x256xf32>
    %dot_general3A = arith.constant dense<0.000000e+00> : vector<2000x256xf32>
    %dot_general3A_24 = tpu.matmul %slice3A, %get3A_23, %dot_general3A {dimension_numbers = #tpu.dot_dimension_numbers<[1], [0], [0], [1], [0, 0, 1, 1], [], []>, transpose_lhs_hint = false} : vector<2000x16xf32>, vector<16x256xf32>, vector<2000x256xf32> -> vector<2000x256xf32>
    %slice3A_25 = vector.extract_strided_slice %get3A_11 {offsets = [0, 0], sizes = [2000, 1], strides = [1, 1]} : vector<2000x8xf32> to vector<2000x1xf32>
    %mul3A = vector.broadcast %slice3A_25 : vector<2000x1xf32> to vector<2000x256xf32>
    %mul3A_26 = arith.mulf %dot_general3A_24, %mul3A : vector<2000x256xf32>
    %get3A_27 = arith.constant 0 : index
    %get3A_28 = arith.constant 0 : index
    %get3A_29 = vector.load %arg7[%get3A_27, %get3A_28] : memref<1x256xf32, #tpu.memory_space<vmem>>, vector<1x256xf32>
    %sub3A = vector.broadcast %get3A_29 : vector<1x256xf32> to vector<2000x256xf32>
    %sub3A_30 = arith.subf %sub3A, %mul3A_26 : vector<2000x256xf32>
    %tanh3A = math.tanh %sub3A_30 : vector<2000x256xf32>
    %mul3A_31 = arith.constant 5.000000e-01 : f32
    %mul3A_32 = vector.broadcast %mul3A_31 : f32 to vector<2000x256xf32>
    %mul3A_33 = arith.mulf %mul3A_32, %tanh3A : vector<2000x256xf32>
    %add3A = arith.constant 5.000000e-01 : f32
    %add3A_34 = vector.broadcast %add3A : f32 to vector<2000x256xf32>
    %add3A_35 = arith.addf %add3A_34, %mul3A_33 : vector<2000x256xf32>
    %convert_element_type3A_36 = arith.truncf %add3A_35 : vector<2000x256xf32> to vector<2000x256xbf16>
    %slice3A_37 = vector.extract_strided_slice %get3A_16 {offsets = [0, 0], sizes = [1, 2000], strides = [1, 1]} : vector<8x2000xi32> to vector<1x2000xi32>
    %ge3A = vector.broadcast %slice3A_37 : vector<1x2000xi32> to vector<64x2000xi32>
    %ge3A_38 = vector.broadcast %get3A_19 : vector<64x1xi32> to vector<64x2000xi32>
    %ge3A_39 = arith.cmpi sge, %ge3A, %ge3A_38 : vector<64x2000xi32>
    %jit3A = arith.constant 1.000000e+00 : f32
    %jit3A_40 = arith.constant 0.000000e+00 : f32
    %broadcast_in_dim3A_41 = vector.broadcast %jit3A : f32 to vector<64x2000xf32>
    %broadcast_in_dim3A_42 = vector.broadcast %jit3A_40 : f32 to vector<64x2000xf32>
    %select_n3A = arith.select %ge3A_39, %broadcast_in_dim3A_41, %broadcast_in_dim3A_42 : vector<64x2000xi1>, vector<64x2000xf32>
    %convert_element_type3A_43 = arith.truncf %select_n3A : vector<64x2000xf32> to vector<64x2000xbf16>
    %dot_general3A_44 = arith.constant dense<0.000000e+00> : vector<64x256xf32>
    %dot_general3A_45 = tpu.matmul %convert_element_type3A_43, %convert_element_type3A_36, %dot_general3A_44 {dimension_numbers = #tpu.dot_dimension_numbers<[1], [0], [0], [1], [0, 0, 1, 1], [], []>, transpose_lhs_hint = false} : vector<64x2000xbf16>, vector<2000x256xbf16>, vector<64x256xf32> -> vector<64x256xf32>
    %add3A_46 = arith.addf %broadcast_in_dim3A_20, %dot_general3A_45 : vector<64x256xf32>
    %slice3A_47 = vector.extract_strided_slice %max3A {offsets = [0, 16], sizes = [2000, 16], strides = [1, 1]} : vector<2000x128xf32> to vector<2000x16xf32>
    %get3A_48 = arith.constant 0 : index
    %get3A_49 = arith.constant 0 : index
    %get3A_50 = vector.load %arg8[%get3A_48, %get3A_49] : memref<16x256xf32, #tpu.memory_space<vmem>>, vector<16x256xf32>
    %dot_general3A_51 = arith.constant dense<0.000000e+00> : vector<2000x256xf32>
    %dot_general3A_52 = tpu.matmul %slice3A_47, %get3A_50, %dot_general3A_51 {dimension_numbers = #tpu.dot_dimension_numbers<[1], [0], [0], [1], [0, 0, 1, 1], [], []>, transpose_lhs_hint = false} : vector<2000x16xf32>, vector<16x256xf32>, vector<2000x256xf32> -> vector<2000x256xf32>
    %slice3A_53 = vector.extract_strided_slice %get3A_11 {offsets = [0, 1], sizes = [2000, 1], strides = [1, 1]} : vector<2000x8xf32> to vector<2000x1xf32>
    %mul3A_54 = vector.broadcast %slice3A_53 : vector<2000x1xf32> to vector<2000x256xf32>
    %mul3A_55 = arith.mulf %dot_general3A_52, %mul3A_54 : vector<2000x256xf32>
    %get3A_56 = arith.constant 0 : index
    %get3A_57 = arith.constant 0 : index
    %get3A_58 = vector.load %arg7[%get3A_56, %get3A_57] : memref<1x256xf32, #tpu.memory_space<vmem>>, vector<1x256xf32>
    %sub3A_59 = vector.broadcast %get3A_58 : vector<1x256xf32> to vector<2000x256xf32>
    %sub3A_60 = arith.subf %sub3A_59, %mul3A_55 : vector<2000x256xf32>
    %tanh3A_61 = math.tanh %sub3A_60 : vector<2000x256xf32>
    %mul3A_62 = arith.constant 5.000000e-01 : f32
    %mul3A_63 = vector.broadcast %mul3A_62 : f32 to vector<2000x256xf32>
    %mul3A_64 = arith.mulf %mul3A_63, %tanh3A_61 : vector<2000x256xf32>
    %add3A_65 = arith.constant 5.000000e-01 : f32
    %add3A_66 = vector.broadcast %add3A_65 : f32 to vector<2000x256xf32>
    %add3A_67 = arith.addf %add3A_66, %mul3A_64 : vector<2000x256xf32>
    %convert_element_type3A_68 = arith.truncf %add3A_67 : vector<2000x256xf32> to vector<2000x256xbf16>
    %slice3A_69 = vector.extract_strided_slice %get3A_16 {offsets = [1, 0], sizes = [1, 2000], strides = [1, 1]} : vector<8x2000xi32> to vector<1x2000xi32>
    %ge3A_70 = vector.broadcast %slice3A_69 : vector<1x2000xi32> to vector<64x2000xi32>
    %ge3A_71 = vector.broadcast %get3A_19 : vector<64x1xi32> to vector<64x2000xi32>
    %ge3A_72 = arith.cmpi sge, %ge3A_70, %ge3A_71 : vector<64x2000xi32>
    %jit3A_73 = arith.constant 1.000000e+00 : f32
    %jit3A_74 = arith.constant 0.000000e+00 : f32
    %broadcast_in_dim3A_75 = vector.broadcast %jit3A_73 : f32 to vector<64x2000xf32>
    %broadcast_in_dim3A_76 = vector.broadcast %jit3A_74 : f32 to vector<64x2000xf32>
    %select_n3A_77 = arith.select %ge3A_72, %broadcast_in_dim3A_75, %broadcast_in_dim3A_76 : vector<64x2000xi1>, vector<64x2000xf32>
    %convert_element_type3A_78 = arith.truncf %select_n3A_77 : vector<64x2000xf32> to vector<64x2000xbf16>
    %dot_general3A_79 = arith.constant dense<0.000000e+00> : vector<64x256xf32>
    %dot_general3A_80 = tpu.matmul %convert_element_type3A_78, %convert_element_type3A_68, %dot_general3A_79 {dimension_numbers = #tpu.dot_dimension_numbers<[1], [0], [0], [1], [0, 0, 1, 1], [], []>, transpose_lhs_hint = false} : vector<64x2000xbf16>, vector<2000x256xbf16>, vector<64x256xf32> -> vector<64x256xf32>
    %add3A_81 = arith.addf %add3A_46, %dot_general3A_80 : vector<64x256xf32>
    %slice3A_82 = vector.extract_strided_slice %max3A {offsets = [0, 32], sizes = [2000, 16], strides = [1, 1]} : vector<2000x128xf32> to vector<2000x16xf32>
    %get3A_83 = arith.constant 0 : index
    %get3A_84 = arith.constant 0 : index
    %get3A_85 = vector.load %arg8[%get3A_83, %get3A_84] : memref<16x256xf32, #tpu.memory_space<vmem>>, vector<16x256xf32>
    %dot_general3A_86 = arith.constant dense<0.000000e+00> : vector<2000x256xf32>
    %dot_general3A_87 = tpu.matmul %slice3A_82, %get3A_85, %dot_general3A_86 {dimension_numbers = #tpu.dot_dimension_numbers<[1], [0], [0], [1], [0, 0, 1, 1], [], []>, transpose_lhs_hint = false} : vector<2000x16xf32>, vector<16x256xf32>, vector<2000x256xf32> -> vector<2000x256xf32>
    %slice3A_88 = vector.extract_strided_slice %get3A_11 {offsets = [0, 2], sizes = [2000, 1], strides = [1, 1]} : vector<2000x8xf32> to vector<2000x1xf32>
    %mul3A_89 = vector.broadcast %slice3A_88 : vector<2000x1xf32> to vector<2000x256xf32>
    %mul3A_90 = arith.mulf %dot_general3A_87, %mul3A_89 : vector<2000x256xf32>
    %get3A_91 = arith.constant 0 : index
    %get3A_92 = arith.constant 0 : index
    %get3A_93 = vector.load %arg7[%get3A_91, %get3A_92] : memref<1x256xf32, #tpu.memory_space<vmem>>, vector<1x256xf32>
    %sub3A_94 = vector.broadcast %get3A_93 : vector<1x256xf32> to vector<2000x256xf32>
    %sub3A_95 = arith.subf %sub3A_94, %mul3A_90 : vector<2000x256xf32>
    %tanh3A_96 = math.tanh %sub3A_95 : vector<2000x256xf32>
    %mul3A_97 = arith.constant 5.000000e-01 : f32
    %mul3A_98 = vector.broadcast %mul3A_97 : f32 to vector<2000x256xf32>
    %mul3A_99 = arith.mulf %mul3A_98, %tanh3A_96 : vector<2000x256xf32>
    %add3A_100 = arith.constant 5.000000e-01 : f32
    %add3A_101 = vector.broadcast %add3A_100 : f32 to vector<2000x256xf32>
    %add3A_102 = arith.addf %add3A_101, %mul3A_99 : vector<2000x256xf32>
    %convert_element_type3A_103 = arith.truncf %add3A_102 : vector<2000x256xf32> to vector<2000x256xbf16>
    %slice3A_104 = vector.extract_strided_slice %get3A_16 {offsets = [2, 0], sizes = [1, 2000], strides = [1, 1]} : vector<8x2000xi32> to vector<1x2000xi32>
    %ge3A_105 = vector.broadcast %slice3A_104 : vector<1x2000xi32> to vector<64x2000xi32>
    %ge3A_106 = vector.broadcast %get3A_19 : vector<64x1xi32> to vector<64x2000xi32>
    %ge3A_107 = arith.cmpi sge, %ge3A_105, %ge3A_106 : vector<64x2000xi32>
    %jit3A_108 = arith.constant 1.000000e+00 : f32
    %jit3A_109 = arith.constant 0.000000e+00 : f32
    %broadcast_in_dim3A_110 = vector.broadcast %jit3A_108 : f32 to vector<64x2000xf32>
    %broadcast_in_dim3A_111 = vector.broadcast %jit3A_109 : f32 to vector<64x2000xf32>
    %select_n3A_112 = arith.select %ge3A_107, %broadcast_in_dim3A_110, %broadcast_in_dim3A_111 : vector<64x2000xi1>, vector<64x2000xf32>
    %convert_element_type3A_113 = arith.truncf %select_n3A_112 : vector<64x2000xf32> to vector<64x2000xbf16>
    %dot_general3A_114 = arith.constant dense<0.000000e+00> : vector<64x256xf32>
    %dot_general3A_115 = tpu.matmul %convert_element_type3A_113, %convert_element_type3A_103, %dot_general3A_114 {dimension_numbers = #tpu.dot_dimension_numbers<[1], [0], [0], [1], [0, 0, 1, 1], [], []>, transpose_lhs_hint = false} : vector<64x2000xbf16>, vector<2000x256xbf16>, vector<64x256xf32> -> vector<64x256xf32>
    %add3A_116 = arith.addf %add3A_81, %dot_general3A_115 : vector<64x256xf32>
    %slice3A_117 = vector.extract_strided_slice %max3A {offsets = [0, 48], sizes = [2000, 16], strides = [1, 1]} : vector<2000x128xf32> to vector<2000x16xf32>
    %get3A_118 = arith.constant 0 : index
    %get3A_119 = arith.constant 0 : index
    %get3A_120 = vector.load %arg8[%get3A_118, %get3A_119] : memref<16x256xf32, #tpu.memory_space<vmem>>, vector<16x256xf32>
    %dot_general3A_121 = arith.constant dense<0.000000e+00> : vector<2000x256xf32>
    %dot_general3A_122 = tpu.matmul %slice3A_117, %get3A_120, %dot_general3A_121 {dimension_numbers = #tpu.dot_dimension_numbers<[1], [0], [0], [1], [0, 0, 1, 1], [], []>, transpose_lhs_hint = false} : vector<2000x16xf32>, vector<16x256xf32>, vector<2000x256xf32> -> vector<2000x256xf32>
    %slice3A_123 = vector.extract_strided_slice %get3A_11 {offsets = [0, 3], sizes = [2000, 1], strides = [1, 1]} : vector<2000x8xf32> to vector<2000x1xf32>
    %mul3A_124 = vector.broadcast %slice3A_123 : vector<2000x1xf32> to vector<2000x256xf32>
    %mul3A_125 = arith.mulf %dot_general3A_122, %mul3A_124 : vector<2000x256xf32>
    %get3A_126 = arith.constant 0 : index
    %get3A_127 = arith.constant 0 : index
    %get3A_128 = vector.load %arg7[%get3A_126, %get3A_127] : memref<1x256xf32, #tpu.memory_space<vmem>>, vector<1x256xf32>
    %sub3A_129 = vector.broadcast %get3A_128 : vector<1x256xf32> to vector<2000x256xf32>
    %sub3A_130 = arith.subf %sub3A_129, %mul3A_125 : vector<2000x256xf32>
    %tanh3A_131 = math.tanh %sub3A_130 : vector<2000x256xf32>
    %mul3A_132 = arith.constant 5.000000e-01 : f32
    %mul3A_133 = vector.broadcast %mul3A_132 : f32 to vector<2000x256xf32>
    %mul3A_134 = arith.mulf %mul3A_133, %tanh3A_131 : vector<2000x256xf32>
    %add3A_135 = arith.constant 5.000000e-01 : f32
    %add3A_136 = vector.broadcast %add3A_135 : f32 to vector<2000x256xf32>
    %add3A_137 = arith.addf %add3A_136, %mul3A_134 : vector<2000x256xf32>
    %convert_element_type3A_138 = arith.truncf %add3A_137 : vector<2000x256xf32> to vector<2000x256xbf16>
    %slice3A_139 = vector.extract_strided_slice %get3A_16 {offsets = [3, 0], sizes = [1, 2000], strides = [1, 1]} : vector<8x2000xi32> to vector<1x2000xi32>
    %ge3A_140 = vector.broadcast %slice3A_139 : vector<1x2000xi32> to vector<64x2000xi32>
    %ge3A_141 = vector.broadcast %get3A_19 : vector<64x1xi32> to vector<64x2000xi32>
    %ge3A_142 = arith.cmpi sge, %ge3A_140, %ge3A_141 : vector<64x2000xi32>
    %jit3A_143 = arith.constant 1.000000e+00 : f32
    %jit3A_144 = arith.constant 0.000000e+00 : f32
    %broadcast_in_dim3A_145 = vector.broadcast %jit3A_143 : f32 to vector<64x2000xf32>
    %broadcast_in_dim3A_146 = vector.broadcast %jit3A_144 : f32 to vector<64x2000xf32>
    %select_n3A_147 = arith.select %ge3A_142, %broadcast_in_dim3A_145, %broadcast_in_dim3A_146 : vector<64x2000xi1>, vector<64x2000xf32>
    %convert_element_type3A_148 = arith.truncf %select_n3A_147 : vector<64x2000xf32> to vector<64x2000xbf16>
    %dot_general3A_149 = arith.constant dense<0.000000e+00> : vector<64x256xf32>
    %dot_general3A_150 = tpu.matmul %convert_element_type3A_148, %convert_element_type3A_138, %dot_general3A_149 {dimension_numbers = #tpu.dot_dimension_numbers<[1], [0], [0], [1], [0, 0, 1, 1], [], []>, transpose_lhs_hint = false} : vector<64x2000xbf16>, vector<2000x256xbf16>, vector<64x256xf32> -> vector<64x256xf32>
    %add3A_151 = arith.addf %add3A_116, %dot_general3A_150 : vector<64x256xf32>
    %slice3A_152 = vector.extract_strided_slice %max3A {offsets = [0, 64], sizes = [2000, 16], strides = [1, 1]} : vector<2000x128xf32> to vector<2000x16xf32>
    %get3A_153 = arith.constant 0 : index
    %get3A_154 = arith.constant 0 : index
    %get3A_155 = vector.load %arg8[%get3A_153, %get3A_154] : memref<16x256xf32, #tpu.memory_space<vmem>>, vector<16x256xf32>
    %dot_general3A_156 = arith.constant dense<0.000000e+00> : vector<2000x256xf32>
    %dot_general3A_157 = tpu.matmul %slice3A_152, %get3A_155, %dot_general3A_156 {dimension_numbers = #tpu.dot_dimension_numbers<[1], [0], [0], [1], [0, 0, 1, 1], [], []>, transpose_lhs_hint = false} : vector<2000x16xf32>, vector<16x256xf32>, vector<2000x256xf32> -> vector<2000x256xf32>
    %slice3A_158 = vector.extract_strided_slice %get3A_11 {offsets = [0, 4], sizes = [2000, 1], strides = [1, 1]} : vector<2000x8xf32> to vector<2000x1xf32>
    %mul3A_159 = vector.broadcast %slice3A_158 : vector<2000x1xf32> to vector<2000x256xf32>
    %mul3A_160 = arith.mulf %dot_general3A_157, %mul3A_159 : vector<2000x256xf32>
    %get3A_161 = arith.constant 0 : index
    %get3A_162 = arith.constant 0 : index
    %get3A_163 = vector.load %arg7[%get3A_161, %get3A_162] : memref<1x256xf32, #tpu.memory_space<vmem>>, vector<1x256xf32>
    %sub3A_164 = vector.broadcast %get3A_163 : vector<1x256xf32> to vector<2000x256xf32>
    %sub3A_165 = arith.subf %sub3A_164, %mul3A_160 : vector<2000x256xf32>
    %tanh3A_166 = math.tanh %sub3A_165 : vector<2000x256xf32>
    %mul3A_167 = arith.constant 5.000000e-01 : f32
    %mul3A_168 = vector.broadcast %mul3A_167 : f32 to vector<2000x256xf32>
    %mul3A_169 = arith.mulf %mul3A_168, %tanh3A_166 : vector<2000x256xf32>
    %add3A_170 = arith.constant 5.000000e-01 : f32
    %add3A_171 = vector.broadcast %add3A_170 : f32 to vector<2000x256xf32>
    %add3A_172 = arith.addf %add3A_171, %mul3A_169 : vector<2000x256xf32>
    %convert_element_type3A_173 = arith.truncf %add3A_172 : vector<2000x256xf32> to vector<2000x256xbf16>
    %slice3A_174 = vector.extract_strided_slice %get3A_16 {offsets = [4, 0], sizes = [1, 2000], strides = [1, 1]} : vector<8x2000xi32> to vector<1x2000xi32>
    %ge3A_175 = vector.broadcast %slice3A_174 : vector<1x2000xi32> to vector<64x2000xi32>
    %ge3A_176 = vector.broadcast %get3A_19 : vector<64x1xi32> to vector<64x2000xi32>
    %ge3A_177 = arith.cmpi sge, %ge3A_175, %ge3A_176 : vector<64x2000xi32>
    %jit3A_178 = arith.constant 1.000000e+00 : f32
    %jit3A_179 = arith.constant 0.000000e+00 : f32
    %broadcast_in_dim3A_180 = vector.broadcast %jit3A_178 : f32 to vector<64x2000xf32>
    %broadcast_in_dim3A_181 = vector.broadcast %jit3A_179 : f32 to vector<64x2000xf32>
    %select_n3A_182 = arith.select %ge3A_177, %broadcast_in_dim3A_180, %broadcast_in_dim3A_181 : vector<64x2000xi1>, vector<64x2000xf32>
    %convert_element_type3A_183 = arith.truncf %select_n3A_182 : vector<64x2000xf32> to vector<64x2000xbf16>
    %dot_general3A_184 = arith.constant dense<0.000000e+00> : vector<64x256xf32>
    %dot_general3A_185 = tpu.matmul %convert_element_type3A_183, %convert_element_type3A_173, %dot_general3A_184 {dimension_numbers = #tpu.dot_dimension_numbers<[1], [0], [0], [1], [0, 0, 1, 1], [], []>, transpose_lhs_hint = false} : vector<64x2000xbf16>, vector<2000x256xbf16>, vector<64x256xf32> -> vector<64x256xf32>
    %add3A_186 = arith.addf %add3A_151, %dot_general3A_185 : vector<64x256xf32>
    %slice3A_187 = vector.extract_strided_slice %max3A {offsets = [0, 80], sizes = [2000, 16], strides = [1, 1]} : vector<2000x128xf32> to vector<2000x16xf32>
    %get3A_188 = arith.constant 0 : index
    %get3A_189 = arith.constant 0 : index
    %get3A_190 = vector.load %arg8[%get3A_188, %get3A_189] : memref<16x256xf32, #tpu.memory_space<vmem>>, vector<16x256xf32>
    %dot_general3A_191 = arith.constant dense<0.000000e+00> : vector<2000x256xf32>
    %dot_general3A_192 = tpu.matmul %slice3A_187, %get3A_190, %dot_general3A_191 {dimension_numbers = #tpu.dot_dimension_numbers<[1], [0], [0], [1], [0, 0, 1, 1], [], []>, transpose_lhs_hint = false} : vector<2000x16xf32>, vector<16x256xf32>, vector<2000x256xf32> -> vector<2000x256xf32>
    %slice3A_193 = vector.extract_strided_slice %get3A_11 {offsets = [0, 5], sizes = [2000, 1], strides = [1, 1]} : vector<2000x8xf32> to vector<2000x1xf32>
    %mul3A_194 = vector.broadcast %slice3A_193 : vector<2000x1xf32> to vector<2000x256xf32>
    %mul3A_195 = arith.mulf %dot_general3A_192, %mul3A_194 : vector<2000x256xf32>
    %get3A_196 = arith.constant 0 : index
    %get3A_197 = arith.constant 0 : index
    %get3A_198 = vector.load %arg7[%get3A_196, %get3A_197] : memref<1x256xf32, #tpu.memory_space<vmem>>, vector<1x256xf32>
    %sub3A_199 = vector.broadcast %get3A_198 : vector<1x256xf32> to vector<2000x256xf32>
    %sub3A_200 = arith.subf %sub3A_199, %mul3A_195 : vector<2000x256xf32>
    %tanh3A_201 = math.tanh %sub3A_200 : vector<2000x256xf32>
    %mul3A_202 = arith.constant 5.000000e-01 : f32
    %mul3A_203 = vector.broadcast %mul3A_202 : f32 to vector<2000x256xf32>
    %mul3A_204 = arith.mulf %mul3A_203, %tanh3A_201 : vector<2000x256xf32>
    %add3A_205 = arith.constant 5.000000e-01 : f32
    %add3A_206 = vector.broadcast %add3A_205 : f32 to vector<2000x256xf32>
    %add3A_207 = arith.addf %add3A_206, %mul3A_204 : vector<2000x256xf32>
    %convert_element_type3A_208 = arith.truncf %add3A_207 : vector<2000x256xf32> to vector<2000x256xbf16>
    %slice3A_209 = vector.extract_strided_slice %get3A_16 {offsets = [5, 0], sizes = [1, 2000], strides = [1, 1]} : vector<8x2000xi32> to vector<1x2000xi32>
    %ge3A_210 = vector.broadcast %slice3A_209 : vector<1x2000xi32> to vector<64x2000xi32>
    %ge3A_211 = vector.broadcast %get3A_19 : vector<64x1xi32> to vector<64x2000xi32>
    %ge3A_212 = arith.cmpi sge, %ge3A_210, %ge3A_211 : vector<64x2000xi32>
    %jit3A_213 = arith.constant 1.000000e+00 : f32
    %jit3A_214 = arith.constant 0.000000e+00 : f32
    %broadcast_in_dim3A_215 = vector.broadcast %jit3A_213 : f32 to vector<64x2000xf32>
    %broadcast_in_dim3A_216 = vector.broadcast %jit3A_214 : f32 to vector<64x2000xf32>
    %select_n3A_217 = arith.select %ge3A_212, %broadcast_in_dim3A_215, %broadcast_in_dim3A_216 : vector<64x2000xi1>, vector<64x2000xf32>
    %convert_element_type3A_218 = arith.truncf %select_n3A_217 : vector<64x2000xf32> to vector<64x2000xbf16>
    %dot_general3A_219 = arith.constant dense<0.000000e+00> : vector<64x256xf32>
    %dot_general3A_220 = tpu.matmul %convert_element_type3A_218, %convert_element_type3A_208, %dot_general3A_219 {dimension_numbers = #tpu.dot_dimension_numbers<[1], [0], [0], [1], [0, 0, 1, 1], [], []>, transpose_lhs_hint = false} : vector<64x2000xbf16>, vector<2000x256xbf16>, vector<64x256xf32> -> vector<64x256xf32>
    %add3A_221 = arith.addf %add3A_186, %dot_general3A_220 : vector<64x256xf32>
    %slice3A_222 = vector.extract_strided_slice %max3A {offsets = [0, 96], sizes = [2000, 16], strides = [1, 1]} : vector<2000x128xf32> to vector<2000x16xf32>
    %get3A_223 = arith.constant 0 : index
    %get3A_224 = arith.constant 0 : index
    %get3A_225 = vector.load %arg8[%get3A_223, %get3A_224] : memref<16x256xf32, #tpu.memory_space<vmem>>, vector<16x256xf32>
    %dot_general3A_226 = arith.constant dense<0.000000e+00> : vector<2000x256xf32>
    %dot_general3A_227 = tpu.matmul %slice3A_222, %get3A_225, %dot_general3A_226 {dimension_numbers = #tpu.dot_dimension_numbers<[1], [0], [0], [1], [0, 0, 1, 1], [], []>, transpose_lhs_hint = false} : vector<2000x16xf32>, vector<16x256xf32>, vector<2000x256xf32> -> vector<2000x256xf32>
    %slice3A_228 = vector.extract_strided_slice %get3A_11 {offsets = [0, 6], sizes = [2000, 1], strides = [1, 1]} : vector<2000x8xf32> to vector<2000x1xf32>
    %mul3A_229 = vector.broadcast %slice3A_228 : vector<2000x1xf32> to vector<2000x256xf32>
    %mul3A_230 = arith.mulf %dot_general3A_227, %mul3A_229 : vector<2000x256xf32>
    %get3A_231 = arith.constant 0 : index
    %get3A_232 = arith.constant 0 : index
    %get3A_233 = vector.load %arg7[%get3A_231, %get3A_232] : memref<1x256xf32, #tpu.memory_space<vmem>>, vector<1x256xf32>
    %sub3A_234 = vector.broadcast %get3A_233 : vector<1x256xf32> to vector<2000x256xf32>
    %sub3A_235 = arith.subf %sub3A_234, %mul3A_230 : vector<2000x256xf32>
    %tanh3A_236 = math.tanh %sub3A_235 : vector<2000x256xf32>
    %mul3A_237 = arith.constant 5.000000e-01 : f32
    %mul3A_238 = vector.broadcast %mul3A_237 : f32 to vector<2000x256xf32>
    %mul3A_239 = arith.mulf %mul3A_238, %tanh3A_236 : vector<2000x256xf32>
    %add3A_240 = arith.constant 5.000000e-01 : f32
    %add3A_241 = vector.broadcast %add3A_240 : f32 to vector<2000x256xf32>
    %add3A_242 = arith.addf %add3A_241, %mul3A_239 : vector<2000x256xf32>
    %convert_element_type3A_243 = arith.truncf %add3A_242 : vector<2000x256xf32> to vector<2000x256xbf16>
    %slice3A_244 = vector.extract_strided_slice %get3A_16 {offsets = [6, 0], sizes = [1, 2000], strides = [1, 1]} : vector<8x2000xi32> to vector<1x2000xi32>
    %ge3A_245 = vector.broadcast %slice3A_244 : vector<1x2000xi32> to vector<64x2000xi32>
    %ge3A_246 = vector.broadcast %get3A_19 : vector<64x1xi32> to vector<64x2000xi32>
    %ge3A_247 = arith.cmpi sge, %ge3A_245, %ge3A_246 : vector<64x2000xi32>
    %jit3A_248 = arith.constant 1.000000e+00 : f32
    %jit3A_249 = arith.constant 0.000000e+00 : f32
    %broadcast_in_dim3A_250 = vector.broadcast %jit3A_248 : f32 to vector<64x2000xf32>
    %broadcast_in_dim3A_251 = vector.broadcast %jit3A_249 : f32 to vector<64x2000xf32>
    %select_n3A_252 = arith.select %ge3A_247, %broadcast_in_dim3A_250, %broadcast_in_dim3A_251 : vector<64x2000xi1>, vector<64x2000xf32>
    %convert_element_type3A_253 = arith.truncf %select_n3A_252 : vector<64x2000xf32> to vector<64x2000xbf16>
    %dot_general3A_254 = arith.constant dense<0.000000e+00> : vector<64x256xf32>
    %dot_general3A_255 = tpu.matmul %convert_element_type3A_253, %convert_element_type3A_243, %dot_general3A_254 {dimension_numbers = #tpu.dot_dimension_numbers<[1], [0], [0], [1], [0, 0, 1, 1], [], []>, transpose_lhs_hint = false} : vector<64x2000xbf16>, vector<2000x256xbf16>, vector<64x256xf32> -> vector<64x256xf32>
    %add3A_256 = arith.addf %add3A_221, %dot_general3A_255 : vector<64x256xf32>
    %slice3A_257 = vector.extract_strided_slice %max3A {offsets = [0, 112], sizes = [2000, 16], strides = [1, 1]} : vector<2000x128xf32> to vector<2000x16xf32>
    %get3A_258 = arith.constant 0 : index
    %get3A_259 = arith.constant 0 : index
    %get3A_260 = vector.load %arg8[%get3A_258, %get3A_259] : memref<16x256xf32, #tpu.memory_space<vmem>>, vector<16x256xf32>
    %dot_general3A_261 = arith.constant dense<0.000000e+00> : vector<2000x256xf32>
    %dot_general3A_262 = tpu.matmul %slice3A_257, %get3A_260, %dot_general3A_261 {dimension_numbers = #tpu.dot_dimension_numbers<[1], [0], [0], [1], [0, 0, 1, 1], [], []>, transpose_lhs_hint = false} : vector<2000x16xf32>, vector<16x256xf32>, vector<2000x256xf32> -> vector<2000x256xf32>
    %slice3A_263 = vector.extract_strided_slice %get3A_11 {offsets = [0, 7], sizes = [2000, 1], strides = [1, 1]} : vector<2000x8xf32> to vector<2000x1xf32>
    %mul3A_264 = vector.broadcast %slice3A_263 : vector<2000x1xf32> to vector<2000x256xf32>
    %mul3A_265 = arith.mulf %dot_general3A_262, %mul3A_264 : vector<2000x256xf32>
    %get3A_266 = arith.constant 0 : index
    %get3A_267 = arith.constant 0 : index
    %get3A_268 = vector.load %arg7[%get3A_266, %get3A_267] : memref<1x256xf32, #tpu.memory_space<vmem>>, vector<1x256xf32>
    %sub3A_269 = vector.broadcast %get3A_268 : vector<1x256xf32> to vector<2000x256xf32>
    %sub3A_270 = arith.subf %sub3A_269, %mul3A_265 : vector<2000x256xf32>
    %tanh3A_271 = math.tanh %sub3A_270 : vector<2000x256xf32>
    %mul3A_272 = arith.constant 5.000000e-01 : f32
    %mul3A_273 = vector.broadcast %mul3A_272 : f32 to vector<2000x256xf32>
    %mul3A_274 = arith.mulf %mul3A_273, %tanh3A_271 : vector<2000x256xf32>
    %add3A_275 = arith.constant 5.000000e-01 : f32
    %add3A_276 = vector.broadcast %add3A_275 : f32 to vector<2000x256xf32>
    %add3A_277 = arith.addf %add3A_276, %mul3A_274 : vector<2000x256xf32>
    %convert_element_type3A_278 = arith.truncf %add3A_277 : vector<2000x256xf32> to vector<2000x256xbf16>
    %slice3A_279 = vector.extract_strided_slice %get3A_16 {offsets = [7, 0], sizes = [1, 2000], strides = [1, 1]} : vector<8x2000xi32> to vector<1x2000xi32>
    %ge3A_280 = vector.broadcast %slice3A_279 : vector<1x2000xi32> to vector<64x2000xi32>
    %ge3A_281 = vector.broadcast %get3A_19 : vector<64x1xi32> to vector<64x2000xi32>
    %ge3A_282 = arith.cmpi sge, %ge3A_280, %ge3A_281 : vector<64x2000xi32>
    %jit3A_283 = arith.constant 1.000000e+00 : f32
    %jit3A_284 = arith.constant 0.000000e+00 : f32
    %broadcast_in_dim3A_285 = vector.broadcast %jit3A_283 : f32 to vector<64x2000xf32>
    %broadcast_in_dim3A_286 = vector.broadcast %jit3A_284 : f32 to vector<64x2000xf32>
    %select_n3A_287 = arith.select %ge3A_282, %broadcast_in_dim3A_285, %broadcast_in_dim3A_286 : vector<64x2000xi1>, vector<64x2000xf32>
    %convert_element_type3A_288 = arith.truncf %select_n3A_287 : vector<64x2000xf32> to vector<64x2000xbf16>
    %dot_general3A_289 = arith.constant dense<0.000000e+00> : vector<64x256xf32>
    %dot_general3A_290 = tpu.matmul %convert_element_type3A_288, %convert_element_type3A_278, %dot_general3A_289 {dimension_numbers = #tpu.dot_dimension_numbers<[1], [0], [0], [1], [0, 0, 1, 1], [], []>, transpose_lhs_hint = false} : vector<64x2000xbf16>, vector<2000x256xbf16>, vector<64x256xf32> -> vector<64x256xf32>
    %add3A_291 = arith.addf %add3A_256, %dot_general3A_290 : vector<64x256xf32>
    %slice3A_292 = vector.extract_strided_slice %add3A_291 {offsets = [1, 0], sizes = [63, 256], strides = [1, 1]} : vector<64x256xf32> to vector<63x256xf32>
    %broadcast_in_dim3A_293 = arith.constant 0.000000e+00 : f32
    %broadcast_in_dim3A_294 = vector.broadcast %broadcast_in_dim3A_293 : f32 to vector<1x256xf32>
    %concatenate3A = tpu.concatenate %slice3A_292, %broadcast_in_dim3A_294 in 0 : vector<63x256xf32>, vector<1x256xf32> -> vector<64x256xf32>
    %sub3A_295 = arith.subf %add3A_291, %concatenate3A : vector<64x256xf32>
    %get3A_296 = arith.constant 0 : index
    %get3A_297 = arith.constant 0 : index
    %get3A_298 = vector.load %arg15[%get3A_296, %get3A_297] : memref<64x256xf32, #tpu.memory_space<vmem>>, vector<64x256xf32>
    %sub3A_299 = arith.subf %get3A_298, %sub3A_295 : vector<64x256xf32>
    %swap3A = arith.constant 0 : index
    %swap3A_300 = arith.constant 0 : index
    %swap3A_301 = vector.load %arg15[%swap3A, %swap3A_300] : memref<64x256xf32, #tpu.memory_space<vmem>>, vector<64x256xf32>
    tpu.vector_store %arg15[%swap3A, %swap3A_300], %sub3A_299 {strides = array<i32>} : memref<64x256xf32, #tpu.memory_space<vmem>>, vector<64x256xf32>,
    %eq3A_302 = arith.constant 9 : i32
    %eq3A_303 = arith.cmpi eq, %arg0, %eq3A_302 : i32
    %convert_element_type3A_304 = arith.extui %eq3A_303 : i1 to i32
    %cond3A_305 = arith.constant 0 : i32
    %cond3A_306 = arith.cmpi ne, %convert_element_type3A_304, %cond3A_305 : i32
    scf.if %cond3A_306 {
      %get3A_307 = arith.constant 0 : index
      %get3A_308 = arith.constant 0 : index
      %get3A_309 = vector.load %arg15[%get3A_307, %get3A_308] : memref<64x256xf32, #tpu.memory_space<vmem>>, vector<64x256xf32>
      %swap3A_310 = arith.constant 0 : index
      %swap3A_311 = arith.constant 0 : index
      %swap3A_312 = vector.load %arg14[%swap3A_310, %swap3A_311] : memref<64x256xf32, #tpu.memory_space<vmem>>, vector<64x256xf32>
      tpu.vector_store %arg14[%swap3A_310, %swap3A_311], %get3A_309 {strides = array<i32>} : memref<64x256xf32, #tpu.memory_space<vmem>>, vector<64x256xf32>,
      %get3A_313 = arith.constant 0 : index
      %get3A_314 = arith.constant 0 : index
      %get3A_315 = vector.load %arg9[%get3A_313, %get3A_314] : memref<256x256xf32, #tpu.memory_space<vmem>>, vector<256x256xf32>
      %dot_general3A_316 = arith.constant dense<0.000000e+00> : vector<64x256xf32>
      %dot_general3A_317 = tpu.matmul %get3A_309, %get3A_315, %dot_general3A_316 {dimension_numbers = #tpu.dot_dimension_numbers<[1], [1], [0], [0], [0, 0, 1, 0], [], []>, transpose_lhs_hint = false} : vector<64x256xf32>, vector<256x256xf32>, vector<64x256xf32> -> vector<64x256xf32>
      %get3A_318 = arith.constant 0 : index
      %get3A_319 = arith.constant 0 : index
      %get3A_320 = vector.load %arg10[%get3A_318, %get3A_319] : memref<1x256xf32, #tpu.memory_space<vmem>>, vector<1x256xf32>
      %add3A_321 = vector.broadcast %get3A_320 : vector<1x256xf32> to vector<64x256xf32>
      %add3A_322 = arith.addf %dot_general3A_317, %add3A_321 : vector<64x256xf32>
      %max3A_323 = arith.constant 0.000000e+00 : f32
      %max3A_324 = vector.broadcast %max3A_323 : f32 to vector<64x256xf32>
      %max3A_325 = arith.maximumf %add3A_322, %max3A_324 : vector<64x256xf32>
      %get3A_326 = arith.constant 0 : index
      %get3A_327 = arith.constant 0 : index
      %get3A_328 = vector.load %arg11[%get3A_326, %get3A_327] : memref<10x256xf32, #tpu.memory_space<vmem>>, vector<10x256xf32>
      %dot_general3A_329 = arith.constant dense<0.000000e+00> : vector<64x10xf32>
      %dot_general3A_330 = tpu.matmul %max3A_325, %get3A_328, %dot_general3A_329 {dimension_numbers = #tpu.dot_dimension_numbers<[1], [1], [0], [0], [0, 0, 1, 0], [], []>, transpose_lhs_hint = false} : vector<64x256xf32>, vector<10x256xf32>, vector<64x10xf32> -> vector<64x10xf32>
      %get3A_331 = arith.constant 0 : index
      %get3A_332 = arith.constant 0 : index
      %get3A_333 = vector.load %arg12[%get3A_331, %get3A_332] : memref<1x10xf32, #tpu.memory_space<vmem>>, vector<1x10xf32>
      %add3A_334 = vector.broadcast %get3A_333 : vector<1x10xf32> to vector<64x10xf32>
      %add3A_335 = arith.addf %dot_general3A_330, %add3A_334 : vector<64x10xf32>
      %swap3A_336 = arith.constant 0 : index
      %swap3A_337 = arith.constant 0 : index
      %swap3A_338 = vector.load %arg13[%swap3A_336, %swap3A_337] : memref<64x10xf32, #tpu.memory_space<vmem>>, vector<64x10xf32>
      tpu.vector_store %arg13[%swap3A_336, %swap3A_337], %add3A_335 {strides = array<i32>} : memref<64x10xf32, #tpu.memory_space<vmem>>, vector<64x10xf32>,
    } else {
    }
    return
  }
  func.func @transform_0(%arg0: i32) -> (i32, i32) {
    %c0_i32 = arith.constant 0 : i32
    %c0_i32_0 = arith.constant 0 : i32
    return %arg0, %c0_i32 : i32, i32
  }
  func.func @transform_1(%arg0: i32) -> (i32, i32) {
    %c0_i32 = arith.constant 0 : i32
    %c0_i32_0 = arith.constant 0 : i32
    return %arg0, %c0_i32 : i32, i32
  }
  func.func @transform_2(%arg0: i32) -> (i32, i32, i32) {
    %c0_i32 = arith.constant 0 : i32
    %c0_i32_0 = arith.constant 0 : i32
    %c0_i32_1 = arith.constant 0 : i32
    return %arg0, %c0_i32, %c0_i32_0 : i32, i32, i32
  }
  func.func @transform_3(%arg0: i32) -> (i32, i32, i32) {
    %c0_i32 = arith.constant 0 : i32
    %c0_i32_0 = arith.constant 0 : i32
    %c0_i32_1 = arith.constant 0 : i32
    return %arg0, %c0_i32, %c0_i32_0 : i32, i32, i32
  }
  func.func @transform_4(%arg0: i32) -> (i32, i32) {
    %c0_i32 = arith.constant 0 : i32
    %c0_i32_0 = arith.constant 0 : i32
    %c0_i32_1 = arith.constant 0 : i32
    return %c0_i32, %c0_i32_0 : i32, i32
  }
  func.func @transform_5(%arg0: i32) -> (i32, i32) {
    %c0_i32 = arith.constant 0 : i32
    %c0_i32_0 = arith.constant 0 : i32
    %c0_i32_1 = arith.constant 0 : i32
    return %c0_i32, %c0_i32_0 : i32, i32
  }
  func.func @transform_6(%arg0: i32) -> (i32, i32) {
    %c0_i32 = arith.constant 0 : i32
    %c0_i32_0 = arith.constant 0 : i32
    %c0_i32_1 = arith.constant 0 : i32
    return %c0_i32, %c0_i32_0 : i32, i32
  }
  func.func @transform_7(%arg0: i32) -> (i32, i32) {
    %c0_i32 = arith.constant 0 : i32
    %c0_i32_0 = arith.constant 0 : i32
    %c0_i32_1 = arith.constant 0 : i32
    return %c0_i32, %c0_i32_0 : i32, i32
  }
  func.func @transform_8(%arg0: i32) -> (i32, i32) {
    %c0_i32 = arith.constant 0 : i32
    %c0_i32_0 = arith.constant 0 : i32
    %c0_i32_1 = arith.constant 0 : i32
    return %c0_i32, %c0_i32_0 : i32, i32
  }
  func.func @transform_9(%arg0: i32) -> (i32, i32) {
    %c0_i32 = arith.constant 0 : i32
    %c0_i32_0 = arith.constant 0 : i32
    %c0_i32_1 = arith.constant 0 : i32
    return %c0_i32, %c0_i32_0 : i32, i32
  }
  func.func @transform_10(%arg0: i32) -> (i32, i32) {
    %c0_i32 = arith.constant 0 : i32
    %c0_i32_0 = arith.constant 0 : i32
    %c0_i32_1 = arith.constant 0 : i32
    return %c0_i32, %c0_i32_0 : i32, i32
  }
  func.func @transform_11(%arg0: i32) -> (i32, i32) {
    %c0_i32 = arith.constant 0 : i32
    %c0_i32_0 = arith.constant 0 : i32
    %c0_i32_1 = arith.constant 0 : i32
    return %c0_i32, %c0_i32_0 : i32, i32
  }
  func.func @transform_12(%arg0: i32) -> (i32, i32) {
    %c0_i32 = arith.constant 0 : i32
    %c0_i32_0 = arith.constant 0 : i32
    %c0_i32_1 = arith.constant 0 : i32
    return %c0_i32, %c0_i32_0 : i32, i32
  }
  func.func @transform_13(%arg0: i32) -> (i32, i32) {
    %c0_i32 = arith.constant 0 : i32
    %c0_i32_0 = arith.constant 0 : i32
    %c0_i32_1 = arith.constant 0 : i32
    return %c0_i32, %c0_i32_0 : i32, i32
  }
}

</mosaic_0001>

<sc_bundles>
// kernel: kernel.5.cloned.1.call-start
scs
__scs_entry_jumppad:
0x0: {  	(pc) =	sbr.rel $0x88, $3  }
0x1: {  	(tag) =	ssettag $0x0;
	lr =	simm.s32 $0x1  }
0x2: {  	[smem:$0x3F96] =	sst lr;
	_ =	strace $0xD0000000  }
0x3: {  	_ = 	snop  }
0x4: {  	_ = 	snop  }
0x5: {  	_ = 	snop  }
0x6: {  	_ = 	snop  }
0x7: {  	_ = 	snop  }
__scs_overlays_trampoline_lowered:
0x8: {  	[smem:$0x3FA5] =	sst s0  }
0x9: {  	[smem:$0x3FA6] =	sst s1  }
0xa: {  	[smem:$0x3FA7] =	sst s2  }
0xb: {  	[smem:$0x3FA8] =	sst s3  }
0xc: {  	[smem:$0x3FA9] =	sst s4  }
0xd: {  	[smem:$0x3FAA] =	sst s5  }
0xe: {  	[smem:$0x3FAB] =	sst s6  }
0xf: {  	[smem:$0x3FAC] =	sst s7  }
0x10: {  	[smem:$0x3FAD] =	sst s8  }
0x11: {  	[smem:$0x3FAE] =	sst s9;
	s0 =	simm.s32 @!p0 $0x0  }
0x12: {  	s1 =	sld [smem:$0x3F94];
	s0 =	simm.s32 @p0 $0x1  }
0x13: {  	[smem:$0x3FAF] =	sst s0;
	s0 =	simm.s32 @!p1 $0x0  }
0x14: {  	s2 =	sld [smem:$0x3F93];
	s0 =	simm.s32 @p1 $0x1  }
0x15: {  	[smem:$0x3FB0] =	sst s0;
	s0 =	simm.s32 @!p2 $0x0  }
0x16: {  	s3 =	sld [smem:$0x3FDB];
	s0 =	simm.s32 @p2 $0x1  }
0x17: {  	s4 =	simm.s32 $0x1BF5;
	[smem:$0x3FB2] =	sst s0  }
0x18: {  	s0 =	sld [smem:$0x3F95];
	_ =	swait.ge [sflag:s4], $0x0  }
0x19: {  	s7 =	sld [smem:$0x3F96]  }
0x1a: {  	s8 =	sadd.s32 $0xFFFFE003, lr  }
0x1b: {  	s9 =	sadd.s32 $0xFFFFFEF7, lr;
	s5 =	simm.s32 $0xFFFFFFFF;
	p2 =	slt.u32 s8, $0xFFFFF086  }
0x1c: {  	p1 =	slt.u32 s9, $0xF7A;
	s5 =	simm.s32 @!p2 $0x0  }
0x1d: {  	s5 =	simm.s32 @p1 $0x1;
	p0 =	seq.s32 s7, s2  }
0x1e: {  	s7 =	smul.u32 @!p0 $0xF7A, s2;
	p2 =	seq.s32 @!p0 s5, $0x0  }
0x1f: {  	s9 =	smul.u32 $0xF7A, s1;
	s8 =	simm.s32 @!p0 $0x1BF5;
	p2 =	por !p2, p0  }
0x20: {  	[sflag:s8] =	ssyncset.s32 @!p0 $0xFFFFF086;
	s6 =	sadd.s32 @!p0 s3, s7;
	s7 =	simm.s32 @!p0 $0x108  }
0x21: {  	s3 =	sadd.s32 s3, s9;
	s6 =	sadd.s32 @!p0 $0x88, s6;
	s7 =	simm.s32 @p2 $0x1082  }
0x22: {  	[simem:s7], [sflag:s8] =	dma.local @!p0 [hbm:s6], $0xF7A  }
0x23: {  	s9 =	sor.u32 $0xD0000000, s2;
	s6 =	simm.s32 $0x108;
	_ =	swait.ge @!p0 [sflag:s8], $0x0  }
0x24: {  	s3 =	sadd.s32 $0x88, s3;
	s6 =	simm.s32 @!p1 $0x1082;
	[sflag:s4] =	ssyncset.s32 $0xFFFFF086  }
0x25: {  	[simem:s6], [sflag:s4] =	dma.local [hbm:s3], $0xF7A  }
0x26: {  	[smem:$0x3F96] =	sst s1;
	(tag) =	ssettag s2;
	_ =	strace s9  }
0x27: {  	s1 =	sld [smem:$0x3FA6]  }
0x28: {  	s2 =	sld [smem:$0x3FA7]  }
0x29: {  	s4 =	sld [smem:$0x3FA9]  }
0x2a: {  	p0 =	seq.s32 s5, $0x0;
	s5 =	sld [smem:$0x3FAA]  }
0x2b: {  	s6 =	sld [smem:$0x3FAB]  }
0x2c: {  	s7 =	sld [smem:$0x3FAC]  }
0x2d: {  	s3 =	simm.s32 $0x108;
	s8 =	sld [smem:$0x3FAD]  }
0x2e: {  	s3 =	simm.s32 @!p0 $0x1082;
	s9 =	sld [smem:$0x3FAE]  }
0x2f: {  	lr =	sadd.s32 s0, s3;
	s0 =	sld [smem:$0x3FA5]  }
0x30: {  	s3 =	sld [smem:$0x3FA8]  }
0x31: {  	[smem:$0x3FB1] =	sst s10  }
0x32: {  	s10 =	sld [smem:$0x3FAF];
	_ =	sdelay $0x3  }
0x33: {  	p0 =	seq.s32 s10, $0x1;
	s10 =	sld [smem:$0x3FB1];
	_ =	sdelay $0x3  }
0x34: {  	[smem:$0x3FB1] =	sst s10  }
0x35: {  	s10 =	sld [smem:$0x3FB0];
	_ =	sdelay $0x3  }
0x36: {  	p1 =	seq.s32 s10, $0x1;
	s10 =	sld [smem:$0x3FB1];
	_ =	sdelay $0x3  }
0x37: {  	[smem:$0x3FB1] =	sst s10  }
0x38: {  	s10 =	sld [smem:$0x3FB2]  }
0x39: {  	_ = 	snop;
	(pc) =	sbr.ind lr, $3  }
0x3a: {  	_ = 	snop  }
0x3b: {  	_ = 	snop  }
0x3c: {  	p2 =	seq.s32 s10, $0x1;
	s10 =	sld [smem:$0x3FB1]  }
0x3d: {  	_ =	shalt  }
0x3e: {  	_ =	shalt  }
0x3f: {  	_ =	shalt  }
0x40: {  	_ =	shalt  }
0x41: {  	_ =	shalt  }
0x42: {  	_ =	shalt  }
0x43: {  	_ =	shalt  }
0x44: {  	_ =	shalt  }
0x45: {  	_ =	shalt  }
0x46: {  	_ =	shalt  }
0x47: {  	_ =	shalt  }
0x48: {  	_ =	shalt  }
0x49: {  	_ =	shalt  }
0x4a: {  	_ =	shalt  }
0x4b: {  	_ =	shalt  }
0x4c: {  	_ =	shalt  }
0x4d: {  	_ =	shalt  }
0x4e: {  	_ =	shalt  }
0x4f: {  	_ =	shalt  }
0x50: {  	_ =	shalt  }
0x51: {  	_ =	shalt  }
0x52: {  	_ =	shalt  }
0x53: {  	_ =	shalt  }
0x54: {  	_ =	shalt  }
0x55: {  	_ =	shalt  }
0x56: {  	_ =	shalt  }
0x57: {  	_ =	shalt  }
0x58: {  	_ =	shalt  }
0x59: {  	_ =	shalt  }
0x5a: {  	_ =	shalt  }
0x5b: {  	_ =	shalt  }
0x5c: {  	_ =	shalt  }
0x5d: {  	_ =	shalt  }
0x5e: {  	_ =	shalt  }
0x5f: {  	_ =	shalt  }
0x60: {  	_ =	shalt  }
0x61: {  	_ =	shalt  }
0x62: {  	_ =	shalt  }
0x63: {  	_ =	shalt  }
0x64: {  	_ =	shalt  }
0x65: {  	_ =	shalt  }
0x66: {  	_ =	shalt  }
0x67: {  	_ =	shalt  }
0x68: {  	_ =	shalt  }
0x69: {  	_ =	shalt  }
0x6a: {  	_ =	shalt  }
0x6b: {  	_ =	shalt  }
0x6c: {  	_ =	shalt  }
0x6d: {  	_ =	shalt  }
0x6e: {  	_ =	shalt  }
0x6f: {  	_ =	shalt  }
0x70: {  	_ =	shalt  }
0x71: {  	_ =	shalt  }
0x72: {  	_ =	shalt  }
0x73: {  	_ =	shalt  }
0x74: {  	_ =	shalt  }
0x75: {  	_ =	shalt  }
0x76: {  	_ =	shalt  }
0x77: {  	_ =	shalt  }
0x78: {  	_ =	shalt  }
0x79: {  	_ =	shalt  }
0x7a: {  	_ =	shalt  }
0x7b: {  	_ =	shalt  }
0x7c: {  	_ =	shalt  }
0x7d: {  	_ =	shalt  }
0x7e: {  	_ =	shalt  }
0x7f: {  	_ =	shalt  }
0x80: {  	_ =	shalt  }
0x81: {  	_ =	shalt  }
0x82: {  	_ =	shalt  }
0x83: {  	_ =	shalt  }
0x84: {  	_ =	shalt  }
0x85: {  	_ =	shalt  }
0x86: {  	_ =	shalt  }
0x87: {  	_ =	shalt  }
.Lfunc_end0:
.L_simem_size_0:
called_computation_lowered:
.L_overlay_start_0:
0x88: {  	s2 =	sld [smem:$0x3FD9]  }
0x89: {  	s3 =	sld [smem:$0x3FFE];
	_ =	sdelay $0x1  }
0x8a: {  	s1 =	srdreg.scid  }
0x8b: {  	s0 =	sand.u32 $0x1, s1  }
0x8c: {  	s16 =	sshll.u32 s0, $0xA;
	s2 =	sadd.s32 s3, s2  }
0x8d: {  	s2 =	sadd.s32 s2, s16  }
0x8e: {  	[smem:$0x3FBD] =	sst s2  }
0x8f: {  	_ = 	snop  }
0x90: {  	(tm) =	ssettm $0x1  }
0x91: {  	s17 =	sld [smem:$0x3FFB];
	_ =	sdelay $0x3  }
0x92: {  	_ =	strace s17  }
0x93: {  	s2 =	sld [smem:$0x3FFC];
	_ =	sdelay $0x3  }
0x94: {  	_ =	strace s2  }
0x95: {  	s2 =	sld [smem:$0x3FFD];
	_ =	sdelay $0x3  }
0x96: {  	_ =	strace s2  }
0x97: {  	_ =	strace $0x8FFFFFFF  }
0x98: {  	s18 =	sld [smem:$0x3FDB];
	_ =	sdelay $0x1  }
0x99: {  	s19 =	simm.s32 $_scs_section_size  }
0x9a: {  	s4 =	simm.s32 $_size__tile_overlayer_lowered;
	s5 =	simm.s32 $_tile_overlayer_lowered  }
0x9b: {  	s22 =	simm.s32 $0x1BFF;
	s21 =	sshll.u32 s5, $0x1;
	s2 =	sadd.s32 s19, s18  }
0x9c: {  	s6 =	simm.s32 $0x0;
	s20 =	sshll.u32 s4, $0x1;
	s4 =	sadd.s32 s21, s2  }
0x9d: {  	[timem:s6], [sflag:s22] =	dma.local [hbm:s4], s20  }
0x9e: {  	_ =	swait.ge [sflag:s22], s20  }
0x9f: {  	s3 =	ssub.s32 $0x0, s20;
	[sflag:s22] =	ssyncset.done $0x0  }
0xa0: {  	[sflag:s22] =	ssyncadd.s32 s3;
	_ =	sdelay $0x1  }
0xa1: {  	s23 =	simm.s32 $0x1B8B  }
0xa2: {  	_ =	swait.ge [sflag:s23], $0x1  }
0xa3: {  	[sflag:s23] =	ssyncset.done $0x0  }
0xa4: {  	s25 =	simm.s32 $0x1B8E;
	s24 =	sld [smem:$0x3FFE];
	[sflag:s23] =	ssyncadd.s32 $0xFFFFFFFF  }
0xa5: {  	s26 =	simm.s32 $execute0_lowered;
	[smem:$0x3FD2] =	sst s25  }
0xa6: {  	s4 =	sshll.u32 s26, $0x1;
	_ =	strace $0x80000046;
	[dreg:$0x1] =	wrdreg $0xFFFFFFFF  }
0xa7: {  	s28 =	simm.s32 $_size_execute0_lowered;
	s2 =	sadd.s32 s2, s4;
	[dreg:$0x0] =	wrdreg $0x0  }
0xa8: {  	s4 =	sshll.u32 s28, $0x1;
	[dreg:$0x2] =	wrdreg s2  }
0xa9: {  	[dreg:$0x3] =	wrdreg s4  }
0xaa: {  	[dreg:$0x4] =	wrdreg $0xC0  }
0xab: {  	_ =	task [dreg:s6], $0x5FFFF  }
0xac: {  	[dreg:$0x1] =	wrdreg $0xFFFFFFFF  }
0xad: {  	[dreg:$0x0] =	wrdreg $0x60  }
0xae: {  	[dreg:$0x2] =	wrdreg s24  }
0xaf: {  	[dreg:$0x3] =	wrdreg $0x9  }
0xb0: {  	_ =	task.clear_ibuf [dreg:s6], $0x4FFFF;
	_ =	strace $0x90000046  }
0xb1: {  	s29 =	simm.s32 $0x9;
	_ =	strace $0x80000048  }
0xb2: {  	_ =	swait.ge [sflag:s29], $0x1  }
0xb3: {  	[sflag:s29] =	ssyncadd.s32 $0xFFFFFFFF  }
0xb4: {  	_ =	strace $0x90000048  }
0xb5: {  	_ =	sfence  }
0xb6: {  	s30 =	sld [smem:$0x0];
	_ =	sdelay $0x2  }
0xb7: {  	s31 =	sshll.u32 s1, $0xD;
	s1 =	sshrl.u32 s1, $0x2  }
0xb8: {  	s3 =	sand.u32 $0x4000, s31;
	s1 =	sadd.s32 s1, s30  }
0xb9: {  	s0 =	sor.u32 s3, s0;
	s1 =	sshll.u32 s1, $0x11  }
0xba: {  	s0 =	sor.u32 s1, s0  }
0xbb: {  	s0 =	sadd.s32 $0x8F2B, s0  }
0xbc: {  	[sflag:s0] =	ssyncadd.remote.s32 $0x1  }
0xbd: {  	_ =	sfence.sel $0xFFFF  }
0xbe: {  	[dreg:$0x0] =	wrdreg $0xFFFFFFFF;
	(pc) =	sbr.abs _section_cstart, $3  }
0xbf: {  	[dreg:$0x1] =	wrdreg $0xFFFFFFFF  }
0xc0: {  	_ =	task.clear_ibuf [dreg:s6], $0x2FFFF;
	_ =	strace $0x9FFFFFFF  }
0xc1: {  	(tm) =	ssettm $0x7FFFFFFF  }
tec
execute0_lowered:
.L_overlay_start_1:
0x0: {  	(tag) =	ssettag $0x1  }
0x1: {  	s1 =	srdreg.scid;
	s0 =	stileid.u32  }
0x2: {  	s10 =	sand.u32 $0x1, s1;
	s30 =	sshll.u32 s0, $0x1  }
0x3: {  	s6 =	sor.u32 s10, s30  }
0x4: {  	s3 =	smul.u32 $0x1388, s6  }
0x5: {  	s8 =	rddreg [dreg:$0x0]  }
0x6: {  	s2 =	simm.s32 $0x0;
	s1 =	rddreg [dreg:$0x1];
	s3 =	sshrl.u32 s3, $0x3  }
0x7: {  	[smem:$0x7FF] =	sst s2;
	s9 =	sadd.s32 s3, s8  }
0x8: {  	_ =	strace $0x80000047;
	s3 =	simm.s32 $0x2;
	s4 =	sadd.s32 $0x6E00, s9  }
0x9: {  	[tilespmem:s2], [sflag:$0x2] =	stream.linear.gather [hbm4b:s4+s2], $0x1388, $0x38;
	[tilespmem:$0x14C08] =	vst v63  }
0xa: {  	_ =	swait.ge [sflag:s3], $0x1388  }
0xb: {  	s7 =	simm.s32 $0x1;
	s5 =	sadd.s32 $0x1E00, s8;
	[sflag:s3] =	ssyncset.done $0x0  }
0xc: {  	s11 =	smul.u32 $0x2710, s6;
	s6 =	simm.s32 $0x1388;
	[sflag:s3] =	ssyncadd.s32 $0xFFFFEC78  }
0xd: {  	[tilespmem:s6], [sflag:$0x1] =	stream.indirect.gather [hbm4b:s5+s6], $0x10, s2, s6, $0xb8;
	[tilespmem:$0x14C08] =	vst v63  }
0xe: {  	_ =	swait.ge [sflag:s7], $0x13880  }
0xf: {  	s11 =	sadd.s32 s11, s8;
	[sflag:s7] =	ssyncset.done $0x0  }
0x10: {  	s8 =	sadd.s32 $0x10C00, s11;
	[sflag:s7] =	ssyncadd.s32 $0xFFFEC780  }
0x11: {  	[hbm4b:s8+s2] =	stream.linear.scatter [tilespmem:s6], [sflag:$0x2], $0x13880, $0x38;
	[tilespmem:$0x14C08] =	vst v63  }
0x12: {  	_ =	swait.ge [sflag:s3], $0x13880  }
0x13: {  	[sflag:s3] =	ssyncset.done $0x0  }
0x14: {  	s10 =	ssub.s32 $0x2, s10;
	s9 =	sadd.s32 $0xBC20, s9;
	[sflag:s3] =	ssyncadd.s32 $0xFFFEC780  }
0x15: {  	[tilespmem:s2], [sflag:$0x2] =	stream.linear.gather [hbm4b:s9+s2], $0x1388, $0x38;
	[tilespmem:$0x14C08] =	vst v63  }
0x16: {  	s12 =	sshrl.u32 s10, $0x1;
	_ =	swait.ge [sflag:s3], $0x1388  }
0x17: {  	s12 =	ssub.s32 s10, s12;
	[sflag:s3] =	ssyncset.done $0x0  }
0x18: {  	s31 =	smax.u32 s12, $0x1;
	[sflag:s3] =	ssyncadd.s32 $0xFFFFEC78  }
0x19: {  	[tilespmem:s6], [sflag:$0x1] =	stream.indirect.gather [hbm4b:s5+s6], $0x10, s2, s6, $0xb8;
	[tilespmem:$0x14C08] =	vst v63  }
0x1a: {  	p0 =	sne.s32 s31, $0x1;
	_ =	swait.ge [sflag:s7], $0x13880  }
.Ltmp0:
0x1b: {  	[sflag:s7] =	ssyncset.done $0x0;
	(pc) =	sbr.rel @!p0 .LBB2_2-.Ltmp0, $4  }
0x1c: {  	s10 =	sadd.s32 $0x5EE00, s11;
	[sflag:s7] =	ssyncadd.s32 $0xFFFEC780  }
0x1d: {  	[hbm4b:s10+s2] =	stream.linear.scatter [tilespmem:s6], [sflag:$0x2], $0x13880, $0x38;
	[tilespmem:$0x14C08] =	vst v63  }
0x1e: {  	_ =	swait.ge [sflag:s3], $0x13880  }
0x1f: {  	s11 =	sadd.s32 $0xFFFFFFFF, s31;
	[sflag:s3] =	ssyncset.done $0x0  }
.LBB2_1:
0x20: {  	p0 =	sne.s32 s11, $0x1;
	s11 =	sadd.s32 $0xFFFFFFFF, s11;
	[sflag:s3] =	ssyncadd.s32 $0xFFFEC780  }
0x21: {  	[tilespmem:s2], [sflag:$0x2] =	stream.linear.gather [hbm4b:s4+s2], $0x1388, $0x38;
	[tilespmem:$0x14C08] =	vst v63  }
0x22: {  	_ =	swait.ge [sflag:s3], $0x1388  }
0x23: {  	[sflag:s3] =	ssyncset.done $0x0  }
0x24: {  	[sflag:s3] =	ssyncadd.s32 $0xFFFFEC78  }
0x25: {  	[tilespmem:s6], [sflag:$0x1] =	stream.indirect.gather [hbm4b:s5+s6], $0x10, s2, s6, $0xb8;
	[tilespmem:$0x14C08] =	vst v63  }
0x26: {  	_ =	swait.ge [sflag:s7], $0x13880  }
0x27: {  	[sflag:s7] =	ssyncset.done $0x0  }
0x28: {  	[sflag:s7] =	ssyncadd.s32 $0xFFFEC780  }
0x29: {  	[hbm4b:s8+s2] =	stream.linear.scatter [tilespmem:s6], [sflag:$0x2], $0x13880, $0x38;
	[tilespmem:$0x14C08] =	vst v63  }
0x2a: {  	_ =	swait.ge [sflag:s3], $0x13880  }
0x2b: {  	[sflag:s3] =	ssyncset.done $0x0  }
0x2c: {  	[sflag:s3] =	ssyncadd.s32 $0xFFFEC780  }
0x2d: {  	[tilespmem:s2], [sflag:$0x2] =	stream.linear.gather [hbm4b:s9+s2], $0x1388, $0x38;
	[tilespmem:$0x14C08] =	vst v63  }
0x2e: {  	_ =	swait.ge [sflag:s3], $0x1388  }
0x2f: {  	[sflag:s3] =	ssyncset.done $0x0  }
0x30: {  	[sflag:s3] =	ssyncadd.s32 $0xFFFFEC78  }
0x31: {  	[tilespmem:s6], [sflag:$0x1] =	stream.indirect.gather [hbm4b:s5+s6], $0x10, s2, s6, $0xb8;
	[tilespmem:$0x14C08] =	vst v63  }
0x32: {  	_ =	swait.ge [sflag:s7], $0x13880  }
.Ltmp1:
0x33: {  	[sflag:s7] =	ssyncset.done $0x0;
	(pc) =	sbr.rel @p0 .LBB2_1-.Ltmp1, $4  }
0x34: {  	[sflag:s7] =	ssyncadd.s32 $0xFFFEC780  }
0x35: {  	[hbm4b:s10+s2] =	stream.linear.scatter [tilespmem:s6], [sflag:$0x2], $0x13880, $0x38;
	[tilespmem:$0x14C08] =	vst v63  }
0x36: {  	_ =	swait.ge [sflag:s3], $0x13880  }
0x37: {  	[sflag:s3] =	ssyncset.done $0x0  }
.LBB2_2:
0x38: {  	[sflag:s3] =	ssyncadd.s32 $0xFFFEC780  }
0x39: {  	_ =	sfence.sel $0x180000  }
0x3a: {  	[bflag:$0x0] =	sbarrier.arrive $0xFFFF  }
0x3b: {  	p0 =	sne.s32 s0, $0x0;
	_ =	strace $0x90000047  }
0x3c: {  	s0 =	sadd.s32 @!p0 $0x100000, s1;
	[bflag:$0x2] =	sbarrier.arrive $0xFFFF  }
0x3d: {  	[sflag:s0] =	ssyncadd.tile.s32 @!p0 $0x1;
	_ =	shalt  }
.Lfunc_end2:
_tile_overlayer_lowered:
.L_overlay_start_2:
0x3e: {  	(tag) =	ssettag $0x2  }
0x3f: {  	s0 =	rddreg [dreg:$0x0];
	s2 =	stileid.u32  }
0x40: {  	s1 =	rddreg [dreg:$0x1];
	p0 =	sne.s32 s2, $0x0  }
0x41: {  	s3 =	rddreg [dreg:$0x2];
	[bflag:$0x3] =	sbarrier.arrive $0xFFFF;
	s2 =	simm.s32 @!p0 $0x1C02  }
0x42: {  	[timem:s3], [sflag:s2] =	dma.local @!p0 [hbm:s0], s1  }
0x43: {  	s0 =	simm.s32 @!p0 $0x2  }
0x44: {  	_ =	swait.ge @!p0 [sflag:s0], s1  }
0x45: {  	s1 =	ssub.s32 @!p0 $0x0, s1;
	[sflag:s0] =	ssyncset.done @!p0 $0x0  }
0x46: {  	[sflag:s0] =	ssyncadd.s32 @!p0 s1  }
0x47: {  	[bflag:$0x3] =	sbarrier.arrive $0xFFFF  }
0x48: {  	_ =	shalt  }

</sc_bundles>
